<compile_context>
chip_gen: v7x
topology: tpu7x:2x2x1
jax: 0.10.2.dev20260603
libtpu: 0.0.44.dev20260713+nightly
codegen_flags: <defaults>
</compile_context>

<pallas_src>
import functools

import jax
import jax.numpy as jnp
from jax import lax
from jax.experimental import pallas as pl
from jax.experimental.pallas import tpu as pltpu
from jax.experimental.pallas import tpu_sc as plsc

B, T, V, D = 4, 200, 8192, 1024
PPW = 8
ACTIVE = T // PPW
RPW = B * PPW
CHUNKS = 2
PPC = PPW // CHUNKS
RPC = B * PPC
L = 16

_mesh = plsc.VectorSubcoreMesh(core_axis_name="c", subcore_axis_name="s")


@functools.partial(
    pl.kernel,
    mesh=_mesh,
    out_type=jax.ShapeDtypeStruct((B, T * D), jnp.float32),
    scratch_types=[
        pltpu.VMEM((B, T), jnp.int32),
        pltpu.VMEM((RPW,), jnp.int32),
        pltpu.VMEM((RPW, D), jnp.float32),
        pltpu.SemaphoreType.DMA,
        pltpu.SemaphoreType.DMA,
        pltpu.SemaphoreType.DMA,
    ],
)
def _sc_gather(table_hbm, tok_hbm, out_hbm, tok_v, idx_v, rows_v, gs0, gs1, wsem):
    wid = lax.axis_index("s") * 2 + lax.axis_index("c")

    @pl.when(wid < ACTIVE)
    def _():
        t0 = wid * PPW
        pltpu.sync_copy(tok_hbm, tok_v)

        t0a = (wid // 2) * L
        r = (wid % 2) * PPW
        vb = [tok_v[b, pl.ds(t0a, L)] for b in range(B)]
        lane = lax.iota(jnp.int32, L)
        bsel = lax.rem(lane, B)
        gsems = [gs0, gs1]

        def _gather(c):
            return pltpu.make_async_copy(
                table_hbm.at[idx_v.at[pl.ds(c * RPC, RPC)]],
                rows_v.at[pl.ds(c * RPC, RPC)],
                gsems[c],
            )

        def _write(j):
            return pltpu.make_async_copy(
                rows_v.at[pl.ds(j * B, B)],
                out_hbm.at[:, pl.ds((t0 + j) * D, D)],
                wsem,
            )

        dnums = lax.GatherDimensionNumbers(
            offset_dims=(), collapsed_slice_dims=(0,), start_index_map=(0,)
        )
        for c in range(CHUNKS):
            pos = r + c * PPC + lax.div(lane, B)
            spread = [
                lax.gather(
                    v,
                    pos[:, None],
                    dnums,
                    (1,),
                    mode=lax.GatherScatterMode.PROMISE_IN_BOUNDS,
                )
                for v in vb
            ]
            mix = spread[B - 1]
            for b in range(B - 2, -1, -1):
                mix = jnp.where(bsel == b, spread[b], mix)
            idx_v[pl.ds(c * L, L)] = mix + bsel * V

        for c in range(CHUNKS):
            _gather(c).start()
        for c in range(CHUNKS):
            _gather(c).wait()
            for jj in range(PPC):
                _write(c * PPC + jj).start()
        for j in range(PPW):
            _write(j).wait()


def kernel(sequence_embedding, tokens):
    table = sequence_embedding.reshape(B * V, D)
    return _sc_gather(table, tokens)

# --- scband reference (transcript-rebuilt; emitter-appended) ---
"""Pipeline reference for scband-token-extract-layer-25864293057039 (READ-ONLY COPY).

The authoritative reference and input builder live on the scoring server;
editing this copy changes nothing except your own understanding.
"""

import jax, jax.numpy as jnp
import numpy as np


def setup_inputs(seed: int = 0) -> dict:
    key = jax.random.key(seed)
    k1, k2 = jax.random.split(key)
    sequence_embedding = jax.random.normal(k1, (4, 8192, 1024), dtype=jnp.float32)
    tokens = jax.random.randint(k2, (4, 200), 0, 8192, dtype=jnp.int32)
    return {"sequence_embedding": sequence_embedding, "tokens": tokens}


def reference(sequence_embedding, tokens):
    # tf.compat.v1.batch_gather: per-batch gather along the sequence axis.
    # indices (B, T) -> expand to (B, T, 1) and take_along_axis over axis=1,
    # broadcasting across the embedding dim -> (B, T, D)
    emb = jnp.take_along_axis(sequence_embedding, tokens[:, :, None], axis=1)
    token_num = emb.shape[-2]
    embed_dim = emb.shape[-1]
    # tf.reshape(embedding, (-1, T*D))
    return emb.reshape(-1, token_num * embed_dim)

if __name__ == "__main__":
    import jax
    _d = setup_inputs()
    print(jax.jit(kernel)(*tuple(_d.values())))

</pallas_src>

<mosaic_0001>
#map = affine_map<(d0, d1) -> (0, 0)>
module attributes {stable_mosaic.version = 14 : i64} {
  func.func @_sc_gather(%arg0: i32, %arg1: i32, %arg2: memref<32768x1024xf32, #tpu.memory_space<hbm>>, %arg3: memref<4x200xi32, #tpu.memory_space<hbm>>, %arg4: memref<4x204800xf32, #tpu.memory_space<hbm>>, %arg5: memref<4x200xi32, #tpu.memory_space<vmem>>, %arg6: memref<32xi32, #tpu.memory_space<vmem>>, %arg7: memref<32x1024xf32, #tpu.memory_space<vmem>>, %arg8: memref<!tpu.dma_semaphore, #tpu.memory_space<semaphore_mem>>, %arg9: memref<!tpu.dma_semaphore, #tpu.memory_space<semaphore_mem>>, %arg10: memref<!tpu.dma_semaphore, #tpu.memory_space<semaphore_mem>>) attributes {dimension_semantics = [#tpu.dimension_semantics<core_parallel>, #tpu.dimension_semantics<subcore_parallel>], iteration_bounds = array<i64: 2, 16>, scalar_prefetch = 0 : i64, scratch_operands = 6 : i64, tpu.core_type = #tpu.core_type<sc_vector_subcore>, window_params = [{transform_indices = #map}, {transform_indices = #map}, {transform_indices = #map}]} {
    %mul3A = arith.constant 2 : i32
    %mul3A_0 = arith.muli %arg1, %mul3A : i32
    %add3A = arith.addi %mul3A_0, %arg0 : i32
    %lt3A = arith.constant 25 : i32
    %lt3A_1 = arith.cmpi slt, %add3A, %lt3A : i32
    %convert_element_type3A = arith.extui %lt3A_1 : i1 to i32
    %cond3A = arith.constant 0 : i32
    %cond3A_2 = arith.cmpi ne, %convert_element_type3A, %cond3A : i32
    scf.if %cond3A_2 {
      %mul3A_3 = arith.constant 8 : i32
      %mul3A_4 = arith.muli %add3A, %mul3A_3 : i32
      "tpu.region"() ({
        %run_scoped3A = tpu.sem_alloc : memref<!tpu.dma_semaphore, #tpu.memory_space<semaphore_mem>>
        tpu.enqueue_dma source(%arg3 : memref<4x200xi32, #tpu.memory_space<hbm>>) target(%arg5 : memref<4x200xi32, #tpu.memory_space<vmem>>) target_semaphore(%run_scoped3A : memref<!tpu.dma_semaphore, #tpu.memory_space<semaphore_mem>>)
        tpu.wait_dma2 semaphore(%run_scoped3A : memref<!tpu.dma_semaphore, #tpu.memory_space<semaphore_mem>>) src(%arg3 : memref<4x200xi32, #tpu.memory_space<hbm>>) dst(%arg5 : memref<4x200xi32, #tpu.memory_space<vmem>>)
        tpu.yield
      }) : () -> ()
      %jit3A = arith.constant 2 : i32
      %div3A = arith.divsi %add3A, %jit3A : i32
      %sign3A = arith.constant 0 : i32
      %sign3A_5 = arith.cmpi sgt, %add3A, %sign3A : i32
      %sign3A_6 = arith.extui %sign3A_5 : i1 to i32
      %sign3A_7 = arith.constant 0 : i32
      %sign3A_8 = arith.cmpi slt, %add3A, %sign3A_7 : i32
      %sign3A_9 = arith.extui %sign3A_8 : i1 to i32
      %sign3A_10 = arith.subi %sign3A_6, %sign3A_9 : i32
      %sign3A_11 = arith.constant 0 : i32
      %sign3A_12 = arith.cmpi sgt, %jit3A, %sign3A_11 : i32
      %sign3A_13 = arith.extui %sign3A_12 : i1 to i32
      %sign3A_14 = arith.constant 0 : i32
      %sign3A_15 = arith.cmpi slt, %jit3A, %sign3A_14 : i32
      %sign3A_16 = arith.extui %sign3A_15 : i1 to i32
      %sign3A_17 = arith.subi %sign3A_13, %sign3A_16 : i32
      %ne3A = arith.cmpi ne, %sign3A_10, %sign3A_17 : i32
      %rem3A = arith.remsi %add3A, %jit3A : i32
      %ne3A_18 = arith.constant 0 : i32
      %ne3A_19 = arith.cmpi ne, %rem3A, %ne3A_18 : i32
      %and3A = arith.andi %ne3A, %ne3A_19 : i1
      %sub3A = arith.constant 1 : i32
      %sub3A_20 = arith.subi %div3A, %sub3A : i32
      %select_n3A = arith.select %and3A, %sub3A_20, %div3A : i32
      %mul3A_21 = arith.constant 16 : i32
      %mul3A_22 = arith.muli %select_n3A, %mul3A_21 : i32
      %jit3A_23 = arith.constant 2 : i32
      %eq3A = arith.constant 0 : i32
      %eq3A_24 = arith.cmpi eq, %jit3A_23, %eq3A : i32
      %jit3A_25 = arith.constant 1 : i32
      %select_n3A_26 = arith.select %eq3A_24, %jit3A_25, %jit3A_23 : i32
      %rem3A_27 = arith.remsi %add3A, %select_n3A_26 : i32
      %ne3A_28 = arith.constant 0 : i32
      %ne3A_29 = arith.cmpi ne, %rem3A_27, %ne3A_28 : i32
      %lt3A_30 = arith.constant 0 : i32
      %lt3A_31 = arith.cmpi slt, %rem3A_27, %lt3A_30 : i32
      %lt3A_32 = arith.constant 0 : i32
      %lt3A_33 = arith.cmpi slt, %select_n3A_26, %lt3A_32 : i32
      %ne3A_34 = arith.xori %lt3A_31, %lt3A_33 : i1
      %and3A_35 = arith.andi %ne3A_34, %ne3A_29 : i1
      %add3A_36 = arith.addi %rem3A_27, %select_n3A_26 : i32
      %select_n3A_37 = arith.select %and3A_35, %add3A_36, %rem3A_27 : i32
      %mul3A_38 = arith.constant 8 : i32
      %mul3A_39 = arith.muli %select_n3A_37, %mul3A_38 : i32
      %get3A = arith.constant 0 : i32
      %get3A_40 = arith.index_cast %get3A : i32 to index
      %get3A_41 = arith.index_cast %mul3A_22 : i32 to index
      %get3A_42 = tpu.vector_load %arg5[%get3A_40, %get3A_41] {strides = array<i32>} : memref<4x200xi32, #tpu.memory_space<vmem>>, vector<1x16xi32>,
      %get3A_43 = vector.shape_cast %get3A_42 : vector<1x16xi32> to vector<16xi32>
      %get3A_44 = arith.constant 1 : i32
      %get3A_45 = arith.index_cast %get3A_44 : i32 to index
      %get3A_46 = arith.index_cast %mul3A_22 : i32 to index
      %get3A_47 = tpu.vector_load %arg5[%get3A_45, %get3A_46] {strides = array<i32>} : memref<4x200xi32, #tpu.memory_space<vmem>>, vector<1x16xi32>,
      %get3A_48 = vector.shape_cast %get3A_47 : vector<1x16xi32> to vector<16xi32>
      %get3A_49 = arith.constant 2 : i32
      %get3A_50 = arith.index_cast %get3A_49 : i32 to index
      %get3A_51 = arith.index_cast %mul3A_22 : i32 to index
      %get3A_52 = tpu.vector_load %arg5[%get3A_50, %get3A_51] {strides = array<i32>} : memref<4x200xi32, #tpu.memory_space<vmem>>, vector<1x16xi32>,
      %get3A_53 = vector.shape_cast %get3A_52 : vector<1x16xi32> to vector<16xi32>
      %get3A_54 = arith.constant 3 : i32
      %get3A_55 = arith.index_cast %get3A_54 : i32 to index
      %get3A_56 = arith.index_cast %mul3A_22 : i32 to index
      %get3A_57 = tpu.vector_load %arg5[%get3A_55, %get3A_56] {strides = array<i32>} : memref<4x200xi32, #tpu.memory_space<vmem>>, vector<1x16xi32>,
      %get3A_58 = vector.shape_cast %get3A_57 : vector<1x16xi32> to vector<16xi32>
      %iota3A = tpu.iota {dimensions = array<i32: 0>} : vector<16xi32>
      %rem3A_59 = arith.constant 4 : i32
      %rem3A_60 = vector.broadcast %rem3A_59 : i32 to vector<16xi32>
      %rem3A_61 = arith.remsi %iota3A, %rem3A_60 : vector<16xi32>
      %add3A_62 = arith.constant 0 : i32
      %add3A_63 = arith.addi %mul3A_39, %add3A_62 : i32
      %div3A_64 = arith.constant 4 : i32
      %div3A_65 = vector.broadcast %div3A_64 : i32 to vector<16xi32>
      %div3A_66 = arith.divsi %iota3A, %div3A_65 : vector<16xi32>
      %add3A_67 = vector.broadcast %add3A_63 : i32 to vector<16xi32>
      %add3A_68 = arith.addi %add3A_67, %div3A_66 : vector<16xi32>
      %broadcast_in_dim3A = vector.shape_cast %add3A_68 : vector<16xi32> to vector<16x1xi32>
      %gather3A = vector.shape_cast %broadcast_in_dim3A : vector<16x1xi32> to vector<16xi32>
      %gather3A_69 = tpu.dynamic_gather %get3A_43[%gather3A] in [0] : vector<16xi32>, vector<16xi32> -> vector<16xi32>
      %broadcast_in_dim3A_70 = vector.shape_cast %add3A_68 : vector<16xi32> to vector<16x1xi32>
      %gather3A_71 = vector.shape_cast %broadcast_in_dim3A_70 : vector<16x1xi32> to vector<16xi32>
      %gather3A_72 = tpu.dynamic_gather %get3A_48[%gather3A_71] in [0] : vector<16xi32>, vector<16xi32> -> vector<16xi32>
      %broadcast_in_dim3A_73 = vector.shape_cast %add3A_68 : vector<16xi32> to vector<16x1xi32>
      %gather3A_74 = vector.shape_cast %broadcast_in_dim3A_73 : vector<16x1xi32> to vector<16xi32>
      %gather3A_75 = tpu.dynamic_gather %get3A_53[%gather3A_74] in [0] : vector<16xi32>, vector<16xi32> -> vector<16xi32>
      %broadcast_in_dim3A_76 = vector.shape_cast %add3A_68 : vector<16xi32> to vector<16x1xi32>
      %gather3A_77 = vector.shape_cast %broadcast_in_dim3A_76 : vector<16x1xi32> to vector<16xi32>
      %gather3A_78 = tpu.dynamic_gather %get3A_58[%gather3A_77] in [0] : vector<16xi32>, vector<16xi32> -> vector<16xi32>
      %eq3A_79 = arith.constant 2 : i32
      %eq3A_80 = vector.broadcast %eq3A_79 : i32 to vector<16xi32>
      %eq3A_81 = arith.cmpi eq, %rem3A_61, %eq3A_80 : vector<16xi32>
      %select_n3A_82 = arith.select %eq3A_81, %gather3A_75, %gather3A_78 : vector<16xi1>, vector<16xi32>
      %eq3A_83 = arith.constant 1 : i32
      %eq3A_84 = vector.broadcast %eq3A_83 : i32 to vector<16xi32>
      %eq3A_85 = arith.cmpi eq, %rem3A_61, %eq3A_84 : vector<16xi32>
      %select_n3A_86 = arith.select %eq3A_85, %gather3A_72, %select_n3A_82 : vector<16xi1>, vector<16xi32>
      %eq3A_87 = arith.constant 0 : i32
      %eq3A_88 = vector.broadcast %eq3A_87 : i32 to vector<16xi32>
      %eq3A_89 = arith.cmpi eq, %rem3A_61, %eq3A_88 : vector<16xi32>
      %select_n3A_90 = arith.select %eq3A_89, %gather3A_69, %select_n3A_86 : vector<16xi1>, vector<16xi32>
      %mul3A_91 = arith.constant 8192 : i32
      %mul3A_92 = vector.broadcast %mul3A_91 : i32 to vector<16xi32>
      %mul3A_93 = arith.muli %rem3A_61, %mul3A_92 : vector<16xi32>
      %add3A_94 = arith.addi %select_n3A_90, %mul3A_93 : vector<16xi32>
      %swap3A = arith.constant 0 : index
      %swap3A_95 = tpu.vector_load %arg6[%swap3A] {strides = array<i32>} : memref<32xi32, #tpu.memory_space<vmem>>, vector<16xi32>,
      %swap3A_96 = vector.shape_cast %swap3A_95 : vector<16xi32> to vector<16xi32>
      %swap3A_97 = vector.shape_cast %add3A_94 : vector<16xi32> to vector<16xi32>
      tpu.vector_store %arg6[%swap3A], %swap3A_97 {strides = array<i32>} : memref<32xi32, #tpu.memory_space<vmem>>, vector<16xi32>,
      %add3A_98 = arith.constant 4 : i32
      %add3A_99 = arith.addi %mul3A_39, %add3A_98 : i32
      %div3A_100 = arith.constant 4 : i32
      %div3A_101 = vector.broadcast %div3A_100 : i32 to vector<16xi32>
      %div3A_102 = arith.divsi %iota3A, %div3A_101 : vector<16xi32>
      %add3A_103 = vector.broadcast %add3A_99 : i32 to vector<16xi32>
      %add3A_104 = arith.addi %add3A_103, %div3A_102 : vector<16xi32>
      %broadcast_in_dim3A_105 = vector.shape_cast %add3A_104 : vector<16xi32> to vector<16x1xi32>
      %gather3A_106 = vector.shape_cast %broadcast_in_dim3A_105 : vector<16x1xi32> to vector<16xi32>
      %gather3A_107 = tpu.dynamic_gather %get3A_43[%gather3A_106] in [0] : vector<16xi32>, vector<16xi32> -> vector<16xi32>
      %broadcast_in_dim3A_108 = vector.shape_cast %add3A_104 : vector<16xi32> to vector<16x1xi32>
      %gather3A_109 = vector.shape_cast %broadcast_in_dim3A_108 : vector<16x1xi32> to vector<16xi32>
      %gather3A_110 = tpu.dynamic_gather %get3A_48[%gather3A_109] in [0] : vector<16xi32>, vector<16xi32> -> vector<16xi32>
      %broadcast_in_dim3A_111 = vector.shape_cast %add3A_104 : vector<16xi32> to vector<16x1xi32>
      %gather3A_112 = vector.shape_cast %broadcast_in_dim3A_111 : vector<16x1xi32> to vector<16xi32>
      %gather3A_113 = tpu.dynamic_gather %get3A_53[%gather3A_112] in [0] : vector<16xi32>, vector<16xi32> -> vector<16xi32>
      %broadcast_in_dim3A_114 = vector.shape_cast %add3A_104 : vector<16xi32> to vector<16x1xi32>
      %gather3A_115 = vector.shape_cast %broadcast_in_dim3A_114 : vector<16x1xi32> to vector<16xi32>
      %gather3A_116 = tpu.dynamic_gather %get3A_58[%gather3A_115] in [0] : vector<16xi32>, vector<16xi32> -> vector<16xi32>
      %eq3A_117 = arith.constant 2 : i32
      %eq3A_118 = vector.broadcast %eq3A_117 : i32 to vector<16xi32>
      %eq3A_119 = arith.cmpi eq, %rem3A_61, %eq3A_118 : vector<16xi32>
      %select_n3A_120 = arith.select %eq3A_119, %gather3A_113, %gather3A_116 : vector<16xi1>, vector<16xi32>
      %eq3A_121 = arith.constant 1 : i32
      %eq3A_122 = vector.broadcast %eq3A_121 : i32 to vector<16xi32>
      %eq3A_123 = arith.cmpi eq, %rem3A_61, %eq3A_122 : vector<16xi32>
      %select_n3A_124 = arith.select %eq3A_123, %gather3A_110, %select_n3A_120 : vector<16xi1>, vector<16xi32>
      %eq3A_125 = arith.constant 0 : i32
      %eq3A_126 = vector.broadcast %eq3A_125 : i32 to vector<16xi32>
      %eq3A_127 = arith.cmpi eq, %rem3A_61, %eq3A_126 : vector<16xi32>
      %select_n3A_128 = arith.select %eq3A_127, %gather3A_107, %select_n3A_124 : vector<16xi1>, vector<16xi32>
      %mul3A_129 = arith.constant 8192 : i32
      %mul3A_130 = vector.broadcast %mul3A_129 : i32 to vector<16xi32>
      %mul3A_131 = arith.muli %rem3A_61, %mul3A_130 : vector<16xi32>
      %add3A_132 = arith.addi %select_n3A_128, %mul3A_131 : vector<16xi32>
      %swap3A_133 = arith.constant 16 : index
      %swap3A_134 = tpu.vector_load %arg6[%swap3A_133] {strides = array<i32>} : memref<32xi32, #tpu.memory_space<vmem>>, vector<16xi32>,
      %swap3A_135 = vector.shape_cast %swap3A_134 : vector<16xi32> to vector<16xi32>
      %swap3A_136 = vector.shape_cast %add3A_132 : vector<16xi32> to vector<16xi32>
      tpu.vector_store %arg6[%swap3A_133], %swap3A_136 {strides = array<i32>} : memref<32xi32, #tpu.memory_space<vmem>>, vector<16xi32>,
      %dma_start3A = arith.constant 0 : i32
      %dma_start3A_137 = arith.constant 0 : i32
      %dma_start3A_138 = tpu.memref_slice %arg7[%dma_start3A, %dma_start3A_137] : memref<32x1024xf32, #tpu.memory_space<vmem>> -> memref<16x1024xf32, #tpu.memory_space<vmem>>
      %dma_start3A_139 = arith.constant 0 : i32
      %dma_start3A_140 = tpu.memref_slice %arg6[%dma_start3A_139] : memref<32xi32, #tpu.memory_space<vmem>> -> memref<16xi32, #tpu.memory_space<vmem>>
      %dma_start3A_141 = arith.constant 0 : i32
      %dma_start3A_142 = arith.constant 0 : i32
      %dma_start3A_143 = tpu.memref_slice %arg2[%dma_start3A_141, %dma_start3A_142] : memref<32768x1024xf32, #tpu.memory_space<hbm>> -> memref<32768x1024xf32, #tpu.memory_space<hbm>>
      tpu.enqueue_indirect_dma source(%dma_start3A_143 : memref<32768x1024xf32, #tpu.memory_space<hbm>>) target(%dma_start3A_138 : memref<16x1024xf32, #tpu.memory_space<vmem>>) offsets(%dma_start3A_140 : memref<16xi32, #tpu.memory_space<vmem>>) semaphore(%arg8 : memref<!tpu.dma_semaphore, #tpu.memory_space<semaphore_mem>>)
      %dma_start3A_144 = arith.constant 16 : i32
      %dma_start3A_145 = arith.constant 0 : i32
      %dma_start3A_146 = tpu.memref_slice %arg7[%dma_start3A_144, %dma_start3A_145] : memref<32x1024xf32, #tpu.memory_space<vmem>> -> memref<16x1024xf32, #tpu.memory_space<vmem>>
      %dma_start3A_147 = arith.constant 16 : i32
      %dma_start3A_148 = tpu.memref_slice %arg6[%dma_start3A_147] : memref<32xi32, #tpu.memory_space<vmem>> -> memref<16xi32, #tpu.memory_space<vmem>>
      %dma_start3A_149 = arith.constant 0 : i32
      %dma_start3A_150 = arith.constant 0 : i32
      %dma_start3A_151 = tpu.memref_slice %arg2[%dma_start3A_149, %dma_start3A_150] : memref<32768x1024xf32, #tpu.memory_space<hbm>> -> memref<32768x1024xf32, #tpu.memory_space<hbm>>
      tpu.enqueue_indirect_dma source(%dma_start3A_151 : memref<32768x1024xf32, #tpu.memory_space<hbm>>) target(%dma_start3A_146 : memref<16x1024xf32, #tpu.memory_space<vmem>>) offsets(%dma_start3A_148 : memref<16xi32, #tpu.memory_space<vmem>>) semaphore(%arg9 : memref<!tpu.dma_semaphore, #tpu.memory_space<semaphore_mem>>)
      %dma_wait3A = arith.constant 0 : i32
      %dma_wait3A_152 = arith.constant 0 : i32
      %dma_wait3A_153 = tpu.memref_slice %arg7[%dma_wait3A, %dma_wait3A_152] : memref<32x1024xf32, #tpu.memory_space<vmem>> -> memref<16x1024xf32, #tpu.memory_space<vmem>>
      %dma_wait3A_154 = arith.constant 0 : i32
      %dma_wait3A_155 = tpu.memref_slice %arg6[%dma_wait3A_154] : memref<32xi32, #tpu.memory_space<vmem>> -> memref<16xi32, #tpu.memory_space<vmem>>
      %dma_wait3A_156 = arith.constant 0 : i32
      %dma_wait3A_157 = arith.constant 0 : i32
      %dma_wait3A_158 = tpu.memref_slice %arg2[%dma_wait3A_156, %dma_wait3A_157] : memref<32768x1024xf32, #tpu.memory_space<hbm>> -> memref<32768x1024xf32, #tpu.memory_space<hbm>>
      tpu.wait_indirect_dma semaphore(%arg8 : memref<!tpu.dma_semaphore, #tpu.memory_space<semaphore_mem>>) src(%dma_wait3A_158 : memref<32768x1024xf32, #tpu.memory_space<hbm>>) dst(%dma_wait3A_153 : memref<16x1024xf32, #tpu.memory_space<vmem>>)
      %add3A_159 = arith.constant 0 : i32
      %add3A_160 = arith.addi %mul3A_4, %add3A_159 : i32
      %mul3A_161 = arith.constant 1024 : i32
      %mul3A_162 = arith.muli %add3A_160, %mul3A_161 : i32
      %dma_start3A_163 = arith.constant 0 : i32
      %dma_start3A_164 = arith.constant 0 : i32
      %dma_start3A_165 = tpu.memref_slice %arg7[%dma_start3A_163, %dma_start3A_164] : memref<32x1024xf32, #tpu.memory_space<vmem>> -> memref<4x1024xf32, #tpu.memory_space<vmem>>
      %dma_start3A_166 = arith.constant 0 : i32
      %dma_start3A_167 = tpu.memref_slice %arg4[%dma_start3A_166, %mul3A_162] : memref<4x204800xf32, #tpu.memory_space<hbm>> -> memref<4x1024xf32, #tpu.memory_space<hbm>>
      %dma_start3A_168 = arith.constant 0 : i32
      %dma_start3A_169 = tpu.memref_slice %arg4[%dma_start3A_168, %mul3A_162] : memref<4x204800xf32, #tpu.memory_space<hbm>> -> memref<4x1024xf32, #tpu.memory_space<hbm>>
      %dma_start3A_170 = arith.constant 0 : i32
      %dma_start3A_171 = arith.constant 0 : i32
      %dma_start3A_172 = tpu.memref_slice %arg7[%dma_start3A_170, %dma_start3A_171] : memref<32x1024xf32, #tpu.memory_space<vmem>> -> memref<4x1024xf32, #tpu.memory_space<vmem>>
      tpu.enqueue_dma source(%dma_start3A_172 : memref<4x1024xf32, #tpu.memory_space<vmem>>) target(%dma_start3A_169 : memref<4x1024xf32, #tpu.memory_space<hbm>>) target_semaphore(%arg10 : memref<!tpu.dma_semaphore, #tpu.memory_space<semaphore_mem>>)
      %add3A_173 = arith.constant 1 : i32
      %add3A_174 = arith.addi %mul3A_4, %add3A_173 : i32
      %mul3A_175 = arith.constant 1024 : i32
      %mul3A_176 = arith.muli %add3A_174, %mul3A_175 : i32
      %dma_start3A_177 = arith.constant 4 : i32
      %dma_start3A_178 = arith.constant 0 : i32
      %dma_start3A_179 = tpu.memref_slice %arg7[%dma_start3A_177, %dma_start3A_178] : memref<32x1024xf32, #tpu.memory_space<vmem>> -> memref<4x1024xf32, #tpu.memory_space<vmem>>
      %dma_start3A_180 = arith.constant 0 : i32
      %dma_start3A_181 = tpu.memref_slice %arg4[%dma_start3A_180, %mul3A_176] : memref<4x204800xf32, #tpu.memory_space<hbm>> -> memref<4x1024xf32, #tpu.memory_space<hbm>>
      %dma_start3A_182 = arith.constant 0 : i32
      %dma_start3A_183 = tpu.memref_slice %arg4[%dma_start3A_182, %mul3A_176] : memref<4x204800xf32, #tpu.memory_space<hbm>> -> memref<4x1024xf32, #tpu.memory_space<hbm>>
      %dma_start3A_184 = arith.constant 4 : i32
      %dma_start3A_185 = arith.constant 0 : i32
      %dma_start3A_186 = tpu.memref_slice %arg7[%dma_start3A_184, %dma_start3A_185] : memref<32x1024xf32, #tpu.memory_space<vmem>> -> memref<4x1024xf32, #tpu.memory_space<vmem>>
      tpu.enqueue_dma source(%dma_start3A_186 : memref<4x1024xf32, #tpu.memory_space<vmem>>) target(%dma_start3A_183 : memref<4x1024xf32, #tpu.memory_space<hbm>>) target_semaphore(%arg10 : memref<!tpu.dma_semaphore, #tpu.memory_space<semaphore_mem>>)
      %add3A_187 = arith.constant 2 : i32
      %add3A_188 = arith.addi %mul3A_4, %add3A_187 : i32
      %mul3A_189 = arith.constant 1024 : i32
      %mul3A_190 = arith.muli %add3A_188, %mul3A_189 : i32
      %dma_start3A_191 = arith.constant 8 : i32
      %dma_start3A_192 = arith.constant 0 : i32
      %dma_start3A_193 = tpu.memref_slice %arg7[%dma_start3A_191, %dma_start3A_192] : memref<32x1024xf32, #tpu.memory_space<vmem>> -> memref<4x1024xf32, #tpu.memory_space<vmem>>
      %dma_start3A_194 = arith.constant 0 : i32
      %dma_start3A_195 = tpu.memref_slice %arg4[%dma_start3A_194, %mul3A_190] : memref<4x204800xf32, #tpu.memory_space<hbm>> -> memref<4x1024xf32, #tpu.memory_space<hbm>>
      %dma_start3A_196 = arith.constant 0 : i32
      %dma_start3A_197 = tpu.memref_slice %arg4[%dma_start3A_196, %mul3A_190] : memref<4x204800xf32, #tpu.memory_space<hbm>> -> memref<4x1024xf32, #tpu.memory_space<hbm>>
      %dma_start3A_198 = arith.constant 8 : i32
      %dma_start3A_199 = arith.constant 0 : i32
      %dma_start3A_200 = tpu.memref_slice %arg7[%dma_start3A_198, %dma_start3A_199] : memref<32x1024xf32, #tpu.memory_space<vmem>> -> memref<4x1024xf32, #tpu.memory_space<vmem>>
      tpu.enqueue_dma source(%dma_start3A_200 : memref<4x1024xf32, #tpu.memory_space<vmem>>) target(%dma_start3A_197 : memref<4x1024xf32, #tpu.memory_space<hbm>>) target_semaphore(%arg10 : memref<!tpu.dma_semaphore, #tpu.memory_space<semaphore_mem>>)
      %add3A_201 = arith.constant 3 : i32
      %add3A_202 = arith.addi %mul3A_4, %add3A_201 : i32
      %mul3A_203 = arith.constant 1024 : i32
      %mul3A_204 = arith.muli %add3A_202, %mul3A_203 : i32
      %dma_start3A_205 = arith.constant 12 : i32
      %dma_start3A_206 = arith.constant 0 : i32
      %dma_start3A_207 = tpu.memref_slice %arg7[%dma_start3A_205, %dma_start3A_206] : memref<32x1024xf32, #tpu.memory_space<vmem>> -> memref<4x1024xf32, #tpu.memory_space<vmem>>
      %dma_start3A_208 = arith.constant 0 : i32
      %dma_start3A_209 = tpu.memref_slice %arg4[%dma_start3A_208, %mul3A_204] : memref<4x204800xf32, #tpu.memory_space<hbm>> -> memref<4x1024xf32, #tpu.memory_space<hbm>>
      %dma_start3A_210 = arith.constant 0 : i32
      %dma_start3A_211 = tpu.memref_slice %arg4[%dma_start3A_210, %mul3A_204] : memref<4x204800xf32, #tpu.memory_space<hbm>> -> memref<4x1024xf32, #tpu.memory_space<hbm>>
      %dma_start3A_212 = arith.constant 12 : i32
      %dma_start3A_213 = arith.constant 0 : i32
      %dma_start3A_214 = tpu.memref_slice %arg7[%dma_start3A_212, %dma_start3A_213] : memref<32x1024xf32, #tpu.memory_space<vmem>> -> memref<4x1024xf32, #tpu.memory_space<vmem>>
      tpu.enqueue_dma source(%dma_start3A_214 : memref<4x1024xf32, #tpu.memory_space<vmem>>) target(%dma_start3A_211 : memref<4x1024xf32, #tpu.memory_space<hbm>>) target_semaphore(%arg10 : memref<!tpu.dma_semaphore, #tpu.memory_space<semaphore_mem>>)
      %dma_wait3A_215 = arith.constant 16 : i32
      %dma_wait3A_216 = arith.constant 0 : i32
      %dma_wait3A_217 = tpu.memref_slice %arg7[%dma_wait3A_215, %dma_wait3A_216] : memref<32x1024xf32, #tpu.memory_space<vmem>> -> memref<16x1024xf32, #tpu.memory_space<vmem>>
      %dma_wait3A_218 = arith.constant 16 : i32
      %dma_wait3A_219 = tpu.memref_slice %arg6[%dma_wait3A_218] : memref<32xi32, #tpu.memory_space<vmem>> -> memref<16xi32, #tpu.memory_space<vmem>>
      %dma_wait3A_220 = arith.constant 0 : i32
      %dma_wait3A_221 = arith.constant 0 : i32
      %dma_wait3A_222 = tpu.memref_slice %arg2[%dma_wait3A_220, %dma_wait3A_221] : memref<32768x1024xf32, #tpu.memory_space<hbm>> -> memref<32768x1024xf32, #tpu.memory_space<hbm>>
      tpu.wait_indirect_dma semaphore(%arg9 : memref<!tpu.dma_semaphore, #tpu.memory_space<semaphore_mem>>) src(%dma_wait3A_222 : memref<32768x1024xf32, #tpu.memory_space<hbm>>) dst(%dma_wait3A_217 : memref<16x1024xf32, #tpu.memory_space<vmem>>)
      %add3A_223 = arith.constant 4 : i32
      %add3A_224 = arith.addi %mul3A_4, %add3A_223 : i32
      %mul3A_225 = arith.constant 1024 : i32
      %mul3A_226 = arith.muli %add3A_224, %mul3A_225 : i32
      %dma_start3A_227 = arith.constant 16 : i32
      %dma_start3A_228 = arith.constant 0 : i32
      %dma_start3A_229 = tpu.memref_slice %arg7[%dma_start3A_227, %dma_start3A_228] : memref<32x1024xf32, #tpu.memory_space<vmem>> -> memref<4x1024xf32, #tpu.memory_space<vmem>>
      %dma_start3A_230 = arith.constant 0 : i32
      %dma_start3A_231 = tpu.memref_slice %arg4[%dma_start3A_230, %mul3A_226] : memref<4x204800xf32, #tpu.memory_space<hbm>> -> memref<4x1024xf32, #tpu.memory_space<hbm>>
      %dma_start3A_232 = arith.constant 0 : i32
      %dma_start3A_233 = tpu.memref_slice %arg4[%dma_start3A_232, %mul3A_226] : memref<4x204800xf32, #tpu.memory_space<hbm>> -> memref<4x1024xf32, #tpu.memory_space<hbm>>
      %dma_start3A_234 = arith.constant 16 : i32
      %dma_start3A_235 = arith.constant 0 : i32
      %dma_start3A_236 = tpu.memref_slice %arg7[%dma_start3A_234, %dma_start3A_235] : memref<32x1024xf32, #tpu.memory_space<vmem>> -> memref<4x1024xf32, #tpu.memory_space<vmem>>
      tpu.enqueue_dma source(%dma_start3A_236 : memref<4x1024xf32, #tpu.memory_space<vmem>>) target(%dma_start3A_233 : memref<4x1024xf32, #tpu.memory_space<hbm>>) target_semaphore(%arg10 : memref<!tpu.dma_semaphore, #tpu.memory_space<semaphore_mem>>)
      %add3A_237 = arith.constant 5 : i32
      %add3A_238 = arith.addi %mul3A_4, %add3A_237 : i32
      %mul3A_239 = arith.constant 1024 : i32
      %mul3A_240 = arith.muli %add3A_238, %mul3A_239 : i32
      %dma_start3A_241 = arith.constant 20 : i32
      %dma_start3A_242 = arith.constant 0 : i32
      %dma_start3A_243 = tpu.memref_slice %arg7[%dma_start3A_241, %dma_start3A_242] : memref<32x1024xf32, #tpu.memory_space<vmem>> -> memref<4x1024xf32, #tpu.memory_space<vmem>>
      %dma_start3A_244 = arith.constant 0 : i32
      %dma_start3A_245 = tpu.memref_slice %arg4[%dma_start3A_244, %mul3A_240] : memref<4x204800xf32, #tpu.memory_space<hbm>> -> memref<4x1024xf32, #tpu.memory_space<hbm>>
      %dma_start3A_246 = arith.constant 0 : i32
      %dma_start3A_247 = tpu.memref_slice %arg4[%dma_start3A_246, %mul3A_240] : memref<4x204800xf32, #tpu.memory_space<hbm>> -> memref<4x1024xf32, #tpu.memory_space<hbm>>
      %dma_start3A_248 = arith.constant 20 : i32
      %dma_start3A_249 = arith.constant 0 : i32
      %dma_start3A_250 = tpu.memref_slice %arg7[%dma_start3A_248, %dma_start3A_249] : memref<32x1024xf32, #tpu.memory_space<vmem>> -> memref<4x1024xf32, #tpu.memory_space<vmem>>
      tpu.enqueue_dma source(%dma_start3A_250 : memref<4x1024xf32, #tpu.memory_space<vmem>>) target(%dma_start3A_247 : memref<4x1024xf32, #tpu.memory_space<hbm>>) target_semaphore(%arg10 : memref<!tpu.dma_semaphore, #tpu.memory_space<semaphore_mem>>)
      %add3A_251 = arith.constant 6 : i32
      %add3A_252 = arith.addi %mul3A_4, %add3A_251 : i32
      %mul3A_253 = arith.constant 1024 : i32
      %mul3A_254 = arith.muli %add3A_252, %mul3A_253 : i32
      %dma_start3A_255 = arith.constant 24 : i32
      %dma_start3A_256 = arith.constant 0 : i32
      %dma_start3A_257 = tpu.memref_slice %arg7[%dma_start3A_255, %dma_start3A_256] : memref<32x1024xf32, #tpu.memory_space<vmem>> -> memref<4x1024xf32, #tpu.memory_space<vmem>>
      %dma_start3A_258 = arith.constant 0 : i32
      %dma_start3A_259 = tpu.memref_slice %arg4[%dma_start3A_258, %mul3A_254] : memref<4x204800xf32, #tpu.memory_space<hbm>> -> memref<4x1024xf32, #tpu.memory_space<hbm>>
      %dma_start3A_260 = arith.constant 0 : i32
      %dma_start3A_261 = tpu.memref_slice %arg4[%dma_start3A_260, %mul3A_254] : memref<4x204800xf32, #tpu.memory_space<hbm>> -> memref<4x1024xf32, #tpu.memory_space<hbm>>
      %dma_start3A_262 = arith.constant 24 : i32
      %dma_start3A_263 = arith.constant 0 : i32
      %dma_start3A_264 = tpu.memref_slice %arg7[%dma_start3A_262, %dma_start3A_263] : memref<32x1024xf32, #tpu.memory_space<vmem>> -> memref<4x1024xf32, #tpu.memory_space<vmem>>
      tpu.enqueue_dma source(%dma_start3A_264 : memref<4x1024xf32, #tpu.memory_space<vmem>>) target(%dma_start3A_261 : memref<4x1024xf32, #tpu.memory_space<hbm>>) target_semaphore(%arg10 : memref<!tpu.dma_semaphore, #tpu.memory_space<semaphore_mem>>)
      %add3A_265 = arith.constant 7 : i32
      %add3A_266 = arith.addi %mul3A_4, %add3A_265 : i32
      %mul3A_267 = arith.constant 1024 : i32
      %mul3A_268 = arith.muli %add3A_266, %mul3A_267 : i32
      %dma_start3A_269 = arith.constant 28 : i32
      %dma_start3A_270 = arith.constant 0 : i32
      %dma_start3A_271 = tpu.memref_slice %arg7[%dma_start3A_269, %dma_start3A_270] : memref<32x1024xf32, #tpu.memory_space<vmem>> -> memref<4x1024xf32, #tpu.memory_space<vmem>>
      %dma_start3A_272 = arith.constant 0 : i32
      %dma_start3A_273 = tpu.memref_slice %arg4[%dma_start3A_272, %mul3A_268] : memref<4x204800xf32, #tpu.memory_space<hbm>> -> memref<4x1024xf32, #tpu.memory_space<hbm>>
      %dma_start3A_274 = arith.constant 0 : i32
      %dma_start3A_275 = tpu.memref_slice %arg4[%dma_start3A_274, %mul3A_268] : memref<4x204800xf32, #tpu.memory_space<hbm>> -> memref<4x1024xf32, #tpu.memory_space<hbm>>
      %dma_start3A_276 = arith.constant 28 : i32
      %dma_start3A_277 = arith.constant 0 : i32
      %dma_start3A_278 = tpu.memref_slice %arg7[%dma_start3A_276, %dma_start3A_277] : memref<32x1024xf32, #tpu.memory_space<vmem>> -> memref<4x1024xf32, #tpu.memory_space<vmem>>
      tpu.enqueue_dma source(%dma_start3A_278 : memref<4x1024xf32, #tpu.memory_space<vmem>>) target(%dma_start3A_275 : memref<4x1024xf32, #tpu.memory_space<hbm>>) target_semaphore(%arg10 : memref<!tpu.dma_semaphore, #tpu.memory_space<semaphore_mem>>)
      %add3A_279 = arith.constant 0 : i32
      %add3A_280 = arith.addi %mul3A_4, %add3A_279 : i32
      %mul3A_281 = arith.constant 1024 : i32
      %mul3A_282 = arith.muli %add3A_280, %mul3A_281 : i32
      %dma_wait3A_283 = arith.constant 0 : i32
      %dma_wait3A_284 = arith.constant 0 : i32
      %dma_wait3A_285 = tpu.memref_slice %arg7[%dma_wait3A_283, %dma_wait3A_284] : memref<32x1024xf32, #tpu.memory_space<vmem>> -> memref<4x1024xf32, #tpu.memory_space<vmem>>
      %dma_wait3A_286 = arith.constant 0 : i32
      %dma_wait3A_287 = tpu.memref_slice %arg4[%dma_wait3A_286, %mul3A_282] : memref<4x204800xf32, #tpu.memory_space<hbm>> -> memref<4x1024xf32, #tpu.memory_space<hbm>>
      %dma_wait3A_288 = arith.constant 0 : i32
      %dma_wait3A_289 = tpu.memref_slice %arg4[%dma_wait3A_288, %mul3A_282] : memref<4x204800xf32, #tpu.memory_space<hbm>> -> memref<4x1024xf32, #tpu.memory_space<hbm>>
      %dma_wait3A_290 = arith.constant 0 : i32
      %dma_wait3A_291 = arith.constant 0 : i32
      %dma_wait3A_292 = tpu.memref_slice %arg7[%dma_wait3A_290, %dma_wait3A_291] : memref<32x1024xf32, #tpu.memory_space<vmem>> -> memref<4x1024xf32, #tpu.memory_space<vmem>>
      tpu.wait_dma2 semaphore(%arg10 : memref<!tpu.dma_semaphore, #tpu.memory_space<semaphore_mem>>) src(%dma_wait3A_292 : memref<4x1024xf32, #tpu.memory_space<vmem>>) dst(%dma_wait3A_289 : memref<4x1024xf32, #tpu.memory_space<hbm>>)
      %add3A_293 = arith.constant 1 : i32
      %add3A_294 = arith.addi %mul3A_4, %add3A_293 : i32
      %mul3A_295 = arith.constant 1024 : i32
      %mul3A_296 = arith.muli %add3A_294, %mul3A_295 : i32
      %dma_wait3A_297 = arith.constant 4 : i32
      %dma_wait3A_298 = arith.constant 0 : i32
      %dma_wait3A_299 = tpu.memref_slice %arg7[%dma_wait3A_297, %dma_wait3A_298] : memref<32x1024xf32, #tpu.memory_space<vmem>> -> memref<4x1024xf32, #tpu.memory_space<vmem>>
      %dma_wait3A_300 = arith.constant 0 : i32
      %dma_wait3A_301 = tpu.memref_slice %arg4[%dma_wait3A_300, %mul3A_296] : memref<4x204800xf32, #tpu.memory_space<hbm>> -> memref<4x1024xf32, #tpu.memory_space<hbm>>
      %dma_wait3A_302 = arith.constant 0 : i32
      %dma_wait3A_303 = tpu.memref_slice %arg4[%dma_wait3A_302, %mul3A_296] : memref<4x204800xf32, #tpu.memory_space<hbm>> -> memref<4x1024xf32, #tpu.memory_space<hbm>>
      %dma_wait3A_304 = arith.constant 4 : i32
      %dma_wait3A_305 = arith.constant 0 : i32
      %dma_wait3A_306 = tpu.memref_slice %arg7[%dma_wait3A_304, %dma_wait3A_305] : memref<32x1024xf32, #tpu.memory_space<vmem>> -> memref<4x1024xf32, #tpu.memory_space<vmem>>
      tpu.wait_dma2 semaphore(%arg10 : memref<!tpu.dma_semaphore, #tpu.memory_space<semaphore_mem>>) src(%dma_wait3A_306 : memref<4x1024xf32, #tpu.memory_space<vmem>>) dst(%dma_wait3A_303 : memref<4x1024xf32, #tpu.memory_space<hbm>>)
      %add3A_307 = arith.constant 2 : i32
      %add3A_308 = arith.addi %mul3A_4, %add3A_307 : i32
      %mul3A_309 = arith.constant 1024 : i32
      %mul3A_310 = arith.muli %add3A_308, %mul3A_309 : i32
      %dma_wait3A_311 = arith.constant 8 : i32
      %dma_wait3A_312 = arith.constant 0 : i32
      %dma_wait3A_313 = tpu.memref_slice %arg7[%dma_wait3A_311, %dma_wait3A_312] : memref<32x1024xf32, #tpu.memory_space<vmem>> -> memref<4x1024xf32, #tpu.memory_space<vmem>>
      %dma_wait3A_314 = arith.constant 0 : i32
      %dma_wait3A_315 = tpu.memref_slice %arg4[%dma_wait3A_314, %mul3A_310] : memref<4x204800xf32, #tpu.memory_space<hbm>> -> memref<4x1024xf32, #tpu.memory_space<hbm>>
      %dma_wait3A_316 = arith.constant 0 : i32
      %dma_wait3A_317 = tpu.memref_slice %arg4[%dma_wait3A_316, %mul3A_310] : memref<4x204800xf32, #tpu.memory_space<hbm>> -> memref<4x1024xf32, #tpu.memory_space<hbm>>
      %dma_wait3A_318 = arith.constant 8 : i32
      %dma_wait3A_319 = arith.constant 0 : i32
      %dma_wait3A_320 = tpu.memref_slice %arg7[%dma_wait3A_318, %dma_wait3A_319] : memref<32x1024xf32, #tpu.memory_space<vmem>> -> memref<4x1024xf32, #tpu.memory_space<vmem>>
      tpu.wait_dma2 semaphore(%arg10 : memref<!tpu.dma_semaphore, #tpu.memory_space<semaphore_mem>>) src(%dma_wait3A_320 : memref<4x1024xf32, #tpu.memory_space<vmem>>) dst(%dma_wait3A_317 : memref<4x1024xf32, #tpu.memory_space<hbm>>)
      %add3A_321 = arith.constant 3 : i32
      %add3A_322 = arith.addi %mul3A_4, %add3A_321 : i32
      %mul3A_323 = arith.constant 1024 : i32
      %mul3A_324 = arith.muli %add3A_322, %mul3A_323 : i32
      %dma_wait3A_325 = arith.constant 12 : i32
      %dma_wait3A_326 = arith.constant 0 : i32
      %dma_wait3A_327 = tpu.memref_slice %arg7[%dma_wait3A_325, %dma_wait3A_326] : memref<32x1024xf32, #tpu.memory_space<vmem>> -> memref<4x1024xf32, #tpu.memory_space<vmem>>
      %dma_wait3A_328 = arith.constant 0 : i32
      %dma_wait3A_329 = tpu.memref_slice %arg4[%dma_wait3A_328, %mul3A_324] : memref<4x204800xf32, #tpu.memory_space<hbm>> -> memref<4x1024xf32, #tpu.memory_space<hbm>>
      %dma_wait3A_330 = arith.constant 0 : i32
      %dma_wait3A_331 = tpu.memref_slice %arg4[%dma_wait3A_330, %mul3A_324] : memref<4x204800xf32, #tpu.memory_space<hbm>> -> memref<4x1024xf32, #tpu.memory_space<hbm>>
      %dma_wait3A_332 = arith.constant 12 : i32
      %dma_wait3A_333 = arith.constant 0 : i32
      %dma_wait3A_334 = tpu.memref_slice %arg7[%dma_wait3A_332, %dma_wait3A_333] : memref<32x1024xf32, #tpu.memory_space<vmem>> -> memref<4x1024xf32, #tpu.memory_space<vmem>>
      tpu.wait_dma2 semaphore(%arg10 : memref<!tpu.dma_semaphore, #tpu.memory_space<semaphore_mem>>) src(%dma_wait3A_334 : memref<4x1024xf32, #tpu.memory_space<vmem>>) dst(%dma_wait3A_331 : memref<4x1024xf32, #tpu.memory_space<hbm>>)
      %add3A_335 = arith.constant 4 : i32
      %add3A_336 = arith.addi %mul3A_4, %add3A_335 : i32
      %mul3A_337 = arith.constant 1024 : i32
      %mul3A_338 = arith.muli %add3A_336, %mul3A_337 : i32
      %dma_wait3A_339 = arith.constant 16 : i32
      %dma_wait3A_340 = arith.constant 0 : i32
      %dma_wait3A_341 = tpu.memref_slice %arg7[%dma_wait3A_339, %dma_wait3A_340] : memref<32x1024xf32, #tpu.memory_space<vmem>> -> memref<4x1024xf32, #tpu.memory_space<vmem>>
      %dma_wait3A_342 = arith.constant 0 : i32
      %dma_wait3A_343 = tpu.memref_slice %arg4[%dma_wait3A_342, %mul3A_338] : memref<4x204800xf32, #tpu.memory_space<hbm>> -> memref<4x1024xf32, #tpu.memory_space<hbm>>
      %dma_wait3A_344 = arith.constant 0 : i32
      %dma_wait3A_345 = tpu.memref_slice %arg4[%dma_wait3A_344, %mul3A_338] : memref<4x204800xf32, #tpu.memory_space<hbm>> -> memref<4x1024xf32, #tpu.memory_space<hbm>>
      %dma_wait3A_346 = arith.constant 16 : i32
      %dma_wait3A_347 = arith.constant 0 : i32
      %dma_wait3A_348 = tpu.memref_slice %arg7[%dma_wait3A_346, %dma_wait3A_347] : memref<32x1024xf32, #tpu.memory_space<vmem>> -> memref<4x1024xf32, #tpu.memory_space<vmem>>
      tpu.wait_dma2 semaphore(%arg10 : memref<!tpu.dma_semaphore, #tpu.memory_space<semaphore_mem>>) src(%dma_wait3A_348 : memref<4x1024xf32, #tpu.memory_space<vmem>>) dst(%dma_wait3A_345 : memref<4x1024xf32, #tpu.memory_space<hbm>>)
      %add3A_349 = arith.constant 5 : i32
      %add3A_350 = arith.addi %mul3A_4, %add3A_349 : i32
      %mul3A_351 = arith.constant 1024 : i32
      %mul3A_352 = arith.muli %add3A_350, %mul3A_351 : i32
      %dma_wait3A_353 = arith.constant 20 : i32
      %dma_wait3A_354 = arith.constant 0 : i32
      %dma_wait3A_355 = tpu.memref_slice %arg7[%dma_wait3A_353, %dma_wait3A_354] : memref<32x1024xf32, #tpu.memory_space<vmem>> -> memref<4x1024xf32, #tpu.memory_space<vmem>>
      %dma_wait3A_356 = arith.constant 0 : i32
      %dma_wait3A_357 = tpu.memref_slice %arg4[%dma_wait3A_356, %mul3A_352] : memref<4x204800xf32, #tpu.memory_space<hbm>> -> memref<4x1024xf32, #tpu.memory_space<hbm>>
      %dma_wait3A_358 = arith.constant 0 : i32
      %dma_wait3A_359 = tpu.memref_slice %arg4[%dma_wait3A_358, %mul3A_352] : memref<4x204800xf32, #tpu.memory_space<hbm>> -> memref<4x1024xf32, #tpu.memory_space<hbm>>
      %dma_wait3A_360 = arith.constant 20 : i32
      %dma_wait3A_361 = arith.constant 0 : i32
      %dma_wait3A_362 = tpu.memref_slice %arg7[%dma_wait3A_360, %dma_wait3A_361] : memref<32x1024xf32, #tpu.memory_space<vmem>> -> memref<4x1024xf32, #tpu.memory_space<vmem>>
      tpu.wait_dma2 semaphore(%arg10 : memref<!tpu.dma_semaphore, #tpu.memory_space<semaphore_mem>>) src(%dma_wait3A_362 : memref<4x1024xf32, #tpu.memory_space<vmem>>) dst(%dma_wait3A_359 : memref<4x1024xf32, #tpu.memory_space<hbm>>)
      %add3A_363 = arith.constant 6 : i32
      %add3A_364 = arith.addi %mul3A_4, %add3A_363 : i32
      %mul3A_365 = arith.constant 1024 : i32
      %mul3A_366 = arith.muli %add3A_364, %mul3A_365 : i32
      %dma_wait3A_367 = arith.constant 24 : i32
      %dma_wait3A_368 = arith.constant 0 : i32
      %dma_wait3A_369 = tpu.memref_slice %arg7[%dma_wait3A_367, %dma_wait3A_368] : memref<32x1024xf32, #tpu.memory_space<vmem>> -> memref<4x1024xf32, #tpu.memory_space<vmem>>
      %dma_wait3A_370 = arith.constant 0 : i32
      %dma_wait3A_371 = tpu.memref_slice %arg4[%dma_wait3A_370, %mul3A_366] : memref<4x204800xf32, #tpu.memory_space<hbm>> -> memref<4x1024xf32, #tpu.memory_space<hbm>>
      %dma_wait3A_372 = arith.constant 0 : i32
      %dma_wait3A_373 = tpu.memref_slice %arg4[%dma_wait3A_372, %mul3A_366] : memref<4x204800xf32, #tpu.memory_space<hbm>> -> memref<4x1024xf32, #tpu.memory_space<hbm>>
      %dma_wait3A_374 = arith.constant 24 : i32
      %dma_wait3A_375 = arith.constant 0 : i32
      %dma_wait3A_376 = tpu.memref_slice %arg7[%dma_wait3A_374, %dma_wait3A_375] : memref<32x1024xf32, #tpu.memory_space<vmem>> -> memref<4x1024xf32, #tpu.memory_space<vmem>>
      tpu.wait_dma2 semaphore(%arg10 : memref<!tpu.dma_semaphore, #tpu.memory_space<semaphore_mem>>) src(%dma_wait3A_376 : memref<4x1024xf32, #tpu.memory_space<vmem>>) dst(%dma_wait3A_373 : memref<4x1024xf32, #tpu.memory_space<hbm>>)
      %add3A_377 = arith.constant 7 : i32
      %add3A_378 = arith.addi %mul3A_4, %add3A_377 : i32
      %mul3A_379 = arith.constant 1024 : i32
      %mul3A_380 = arith.muli %add3A_378, %mul3A_379 : i32
      %dma_wait3A_381 = arith.constant 28 : i32
      %dma_wait3A_382 = arith.constant 0 : i32
      %dma_wait3A_383 = tpu.memref_slice %arg7[%dma_wait3A_381, %dma_wait3A_382] : memref<32x1024xf32, #tpu.memory_space<vmem>> -> memref<4x1024xf32, #tpu.memory_space<vmem>>
      %dma_wait3A_384 = arith.constant 0 : i32
      %dma_wait3A_385 = tpu.memref_slice %arg4[%dma_wait3A_384, %mul3A_380] : memref<4x204800xf32, #tpu.memory_space<hbm>> -> memref<4x1024xf32, #tpu.memory_space<hbm>>
      %dma_wait3A_386 = arith.constant 0 : i32
      %dma_wait3A_387 = tpu.memref_slice %arg4[%dma_wait3A_386, %mul3A_380] : memref<4x204800xf32, #tpu.memory_space<hbm>> -> memref<4x1024xf32, #tpu.memory_space<hbm>>
      %dma_wait3A_388 = arith.constant 28 : i32
      %dma_wait3A_389 = arith.constant 0 : i32
      %dma_wait3A_390 = tpu.memref_slice %arg7[%dma_wait3A_388, %dma_wait3A_389] : memref<32x1024xf32, #tpu.memory_space<vmem>> -> memref<4x1024xf32, #tpu.memory_space<vmem>>
      tpu.wait_dma2 semaphore(%arg10 : memref<!tpu.dma_semaphore, #tpu.memory_space<semaphore_mem>>) src(%dma_wait3A_390 : memref<4x1024xf32, #tpu.memory_space<vmem>>) dst(%dma_wait3A_387 : memref<4x1024xf32, #tpu.memory_space<hbm>>)
    } else {
    }
    return
  }
}

</mosaic_0001>

<sc_bundles>
// kernel: kernel.3.cloned.1.call-start
scs
__scs_entry_jumppad:
0x0: {  	(pc) =	sbr.rel $0x88, $3  }
0x1: {  	(tag) =	ssettag $0x0;
	lr =	simm.s32 $0x1  }
0x2: {  	[smem:$0x3F9F] =	sst lr;
	_ =	strace $0xD0000000  }
0x3: {  	_ = 	snop  }
0x4: {  	_ = 	snop  }
0x5: {  	_ = 	snop  }
0x6: {  	_ = 	snop  }
0x7: {  	_ = 	snop  }
__scs_overlays_trampoline_lowered:
0x8: {  	[smem:$0x3FAE] =	sst s0  }
0x9: {  	[smem:$0x3FAF] =	sst s1  }
0xa: {  	[smem:$0x3FB0] =	sst s2  }
0xb: {  	[smem:$0x3FB1] =	sst s3  }
0xc: {  	[smem:$0x3FB2] =	sst s4  }
0xd: {  	[smem:$0x3FB3] =	sst s5  }
0xe: {  	[smem:$0x3FB4] =	sst s6  }
0xf: {  	[smem:$0x3FB5] =	sst s7  }
0x10: {  	[smem:$0x3FB6] =	sst s8  }
0x11: {  	[smem:$0x3FB7] =	sst s9;
	s0 =	simm.s32 @!p0 $0x0  }
0x12: {  	s1 =	sld [smem:$0x3F9D];
	s0 =	simm.s32 @p0 $0x1  }
0x13: {  	[smem:$0x3FB8] =	sst s0;
	s0 =	simm.s32 @!p1 $0x0  }
0x14: {  	s2 =	sld [smem:$0x3F9C];
	s0 =	simm.s32 @p1 $0x1  }
0x15: {  	[smem:$0x3FB9] =	sst s0;
	s0 =	simm.s32 @!p2 $0x0  }
0x16: {  	s3 =	sld [smem:$0x3FDB];
	s0 =	simm.s32 @p2 $0x1  }
0x17: {  	s4 =	simm.s32 $0x1BF5;
	[smem:$0x3FBB] =	sst s0  }
0x18: {  	s0 =	sld [smem:$0x3F9E];
	_ =	swait.ge [sflag:s4], $0x0  }
0x19: {  	s7 =	sld [smem:$0x3F9F]  }
0x1a: {  	s8 =	sadd.s32 $0xFFFFE003, lr  }
0x1b: {  	s9 =	sadd.s32 $0xFFFFFEF7, lr;
	s5 =	simm.s32 $0xFFFFFFFF;
	p2 =	slt.u32 s8, $0xFFFFF086  }
0x1c: {  	p1 =	slt.u32 s9, $0xF7A;
	s5 =	simm.s32 @!p2 $0x0  }
0x1d: {  	s5 =	simm.s32 @p1 $0x1;
	p0 =	seq.s32 s7, s2  }
0x1e: {  	s7 =	smul.u32 @!p0 $0xF7A, s2;
	p2 =	seq.s32 @!p0 s5, $0x0  }
0x1f: {  	s9 =	smul.u32 $0xF7A, s1;
	s8 =	simm.s32 @!p0 $0x1BF5;
	p2 =	por !p2, p0  }
0x20: {  	[sflag:s8] =	ssyncset.s32 @!p0 $0xFFFFF086;
	s6 =	sadd.s32 @!p0 s3, s7;
	s7 =	simm.s32 @!p0 $0x108  }
0x21: {  	s3 =	sadd.s32 s3, s9;
	s6 =	sadd.s32 @!p0 $0x88, s6;
	s7 =	simm.s32 @p2 $0x1082  }
0x22: {  	[simem:s7], [sflag:s8] =	dma.local @!p0 [hbm:s6], $0xF7A  }
0x23: {  	s9 =	sor.u32 $0xD0000000, s2;
	s6 =	simm.s32 $0x108;
	_ =	swait.ge @!p0 [sflag:s8], $0x0  }
0x24: {  	s3 =	sadd.s32 $0x88, s3;
	s6 =	simm.s32 @!p1 $0x1082;
	[sflag:s4] =	ssyncset.s32 $0xFFFFF086  }
0x25: {  	[simem:s6], [sflag:s4] =	dma.local [hbm:s3], $0xF7A  }
0x26: {  	[smem:$0x3F9F] =	sst s1;
	(tag) =	ssettag s2;
	_ =	strace s9  }
0x27: {  	s1 =	sld [smem:$0x3FAF]  }
0x28: {  	s2 =	sld [smem:$0x3FB0]  }
0x29: {  	s4 =	sld [smem:$0x3FB2]  }
0x2a: {  	p0 =	seq.s32 s5, $0x0;
	s5 =	sld [smem:$0x3FB3]  }
0x2b: {  	s6 =	sld [smem:$0x3FB4]  }
0x2c: {  	s7 =	sld [smem:$0x3FB5]  }
0x2d: {  	s3 =	simm.s32 $0x108;
	s8 =	sld [smem:$0x3FB6]  }
0x2e: {  	s3 =	simm.s32 @!p0 $0x1082;
	s9 =	sld [smem:$0x3FB7]  }
0x2f: {  	lr =	sadd.s32 s0, s3;
	s0 =	sld [smem:$0x3FAE]  }
0x30: {  	s3 =	sld [smem:$0x3FB1]  }
0x31: {  	[smem:$0x3FBA] =	sst s10  }
0x32: {  	s10 =	sld [smem:$0x3FB8];
	_ =	sdelay $0x3  }
0x33: {  	p0 =	seq.s32 s10, $0x1;
	s10 =	sld [smem:$0x3FBA];
	_ =	sdelay $0x3  }
0x34: {  	[smem:$0x3FBA] =	sst s10  }
0x35: {  	s10 =	sld [smem:$0x3FB9];
	_ =	sdelay $0x3  }
0x36: {  	p1 =	seq.s32 s10, $0x1;
	s10 =	sld [smem:$0x3FBA];
	_ =	sdelay $0x3  }
0x37: {  	[smem:$0x3FBA] =	sst s10  }
0x38: {  	s10 =	sld [smem:$0x3FBB]  }
0x39: {  	_ = 	snop;
	(pc) =	sbr.ind lr, $3  }
0x3a: {  	_ = 	snop  }
0x3b: {  	_ = 	snop  }
0x3c: {  	p2 =	seq.s32 s10, $0x1;
	s10 =	sld [smem:$0x3FBA]  }
0x3d: {  	_ =	shalt  }
0x3e: {  	_ =	shalt  }
0x3f: {  	_ =	shalt  }
0x40: {  	_ =	shalt  }
0x41: {  	_ =	shalt  }
0x42: {  	_ =	shalt  }
0x43: {  	_ =	shalt  }
0x44: {  	_ =	shalt  }
0x45: {  	_ =	shalt  }
0x46: {  	_ =	shalt  }
0x47: {  	_ =	shalt  }
0x48: {  	_ =	shalt  }
0x49: {  	_ =	shalt  }
0x4a: {  	_ =	shalt  }
0x4b: {  	_ =	shalt  }
0x4c: {  	_ =	shalt  }
0x4d: {  	_ =	shalt  }
0x4e: {  	_ =	shalt  }
0x4f: {  	_ =	shalt  }
0x50: {  	_ =	shalt  }
0x51: {  	_ =	shalt  }
0x52: {  	_ =	shalt  }
0x53: {  	_ =	shalt  }
0x54: {  	_ =	shalt  }
0x55: {  	_ =	shalt  }
0x56: {  	_ =	shalt  }
0x57: {  	_ =	shalt  }
0x58: {  	_ =	shalt  }
0x59: {  	_ =	shalt  }
0x5a: {  	_ =	shalt  }
0x5b: {  	_ =	shalt  }
0x5c: {  	_ =	shalt  }
0x5d: {  	_ =	shalt  }
0x5e: {  	_ =	shalt  }
0x5f: {  	_ =	shalt  }
0x60: {  	_ =	shalt  }
0x61: {  	_ =	shalt  }
0x62: {  	_ =	shalt  }
0x63: {  	_ =	shalt  }
0x64: {  	_ =	shalt  }
0x65: {  	_ =	shalt  }
0x66: {  	_ =	shalt  }
0x67: {  	_ =	shalt  }
0x68: {  	_ =	shalt  }
0x69: {  	_ =	shalt  }
0x6a: {  	_ =	shalt  }
0x6b: {  	_ =	shalt  }
0x6c: {  	_ =	shalt  }
0x6d: {  	_ =	shalt  }
0x6e: {  	_ =	shalt  }
0x6f: {  	_ =	shalt  }
0x70: {  	_ =	shalt  }
0x71: {  	_ =	shalt  }
0x72: {  	_ =	shalt  }
0x73: {  	_ =	shalt  }
0x74: {  	_ =	shalt  }
0x75: {  	_ =	shalt  }
0x76: {  	_ =	shalt  }
0x77: {  	_ =	shalt  }
0x78: {  	_ =	shalt  }
0x79: {  	_ =	shalt  }
0x7a: {  	_ =	shalt  }
0x7b: {  	_ =	shalt  }
0x7c: {  	_ =	shalt  }
0x7d: {  	_ =	shalt  }
0x7e: {  	_ =	shalt  }
0x7f: {  	_ =	shalt  }
0x80: {  	_ =	shalt  }
0x81: {  	_ =	shalt  }
0x82: {  	_ =	shalt  }
0x83: {  	_ =	shalt  }
0x84: {  	_ =	shalt  }
0x85: {  	_ =	shalt  }
0x86: {  	_ =	shalt  }
0x87: {  	_ =	shalt  }
.Lfunc_end0:
.L_simem_size_0:
called_computation_lowered:
.L_overlay_start_0:
0x88: {  	s2 =	sld [smem:$0x3FD9]  }
0x89: {  	s3 =	sld [smem:$0x3FFE];
	_ =	sdelay $0x1  }
0x8a: {  	s1 =	srdreg.scid  }
0x8b: {  	s0 =	sand.u32 $0x1, s1  }
0x8c: {  	s18 =	sshll.u32 s0, $0xA;
	s2 =	sadd.s32 s3, s2  }
0x8d: {  	s2 =	sadd.s32 s2, s18  }
0x8e: {  	[smem:$0x3FC6] =	sst s2  }
0x8f: {  	_ = 	snop  }
0x90: {  	s2 =	sld [smem:$0x3FC9]  }
0x91: {  	s19 =	sld [smem:$0x3FC8]  }
0x92: {  	s4 =	sld [smem:$0x3FD0];
	(tm) =	ssettm $0x1  }
0x93: {  	s5 =	sld [smem:$0x3FFB];
	_ =	sdelay $0x3  }
0x94: {  	_ =	strace s5  }
0x95: {  	s5 =	sld [smem:$0x3FFC];
	_ =	sdelay $0x3  }
0x96: {  	_ =	strace s5  }
0x97: {  	s5 =	sld [smem:$0x3FFD];
	_ =	sdelay $0x3  }
0x98: {  	_ =	strace s5  }
0x99: {  	_ =	strace $0x8FFFFFFF  }
0x9a: {  	s20 =	sld [smem:$0x3FDB];
	_ =	sdelay $0x1  }
0x9b: {  	s6 =	simm.s32 $_scs_section_size  }
0x9c: {  	s7 =	simm.s32 $_size__tile_overlayer_lowered;
	s8 =	simm.s32 $_tile_overlayer_lowered  }
0x9d: {  	s23 =	simm.s32 $0x1BFF;
	s22 =	sshll.u32 s8, $0x1;
	s5 =	sadd.s32 s6, s20  }
0x9e: {  	s9 =	simm.s32 $0x0;
	s21 =	sshll.u32 s7, $0x1;
	s7 =	sadd.s32 s22, s5  }
0x9f: {  	[timem:s9], [sflag:s23] =	dma.local [hbm:s7], s21  }
0xa0: {  	_ =	swait.ge [sflag:s23], s21  }
0xa1: {  	s6 =	ssub.s32 $0x0, s21;
	[sflag:s23] =	ssyncset.done $0x0  }
0xa2: {  	[sflag:s23] =	ssyncadd.s32 s6;
	_ =	sdelay $0x1  }
0xa3: {  	s24 =	simm.s32 $0x1B8B  }
0xa4: {  	_ =	swait.ge [sflag:s24], $0x1  }
0xa5: {  	[sflag:s24] =	ssyncset.done $0x0  }
0xa6: {  	s25 =	simm.s32 $0x1B8E;
	[sflag:s24] =	ssyncadd.s32 $0xFFFFFFFF  }
0xa7: {  	s26 =	simm.s32 $execute0_lowered;
	[smem:$0x3FD2] =	sst s25  }
0xa8: {  	s6 =	sshll.u32 s26, $0x1;
	_ =	strace $0x80000046;
	[dreg:$0x1] =	wrdreg $0xFFFFFFFF  }
0xa9: {  	s28 =	simm.s32 $_size_execute0_lowered;
	s5 =	sadd.s32 s5, s6;
	[dreg:$0x0] =	wrdreg $0x0  }
0xaa: {  	s6 =	sshll.u32 s28, $0x1;
	[dreg:$0x2] =	wrdreg s5  }
0xab: {  	[dreg:$0x3] =	wrdreg s6  }
0xac: {  	[dreg:$0x4] =	wrdreg $0xC0  }
0xad: {  	_ =	task [dreg:s9], $0x5FFFF  }
0xae: {  	[dreg:$0x1] =	wrdreg $0xFFFFFFFF  }
0xaf: {  	[dreg:$0x0] =	wrdreg $0x60  }
0xb0: {  	[dreg:$0x2] =	wrdreg s2  }
0xb1: {  	[dreg:$0x3] =	wrdreg s19  }
0xb2: {  	[dreg:$0x4] =	wrdreg s4  }
0xb3: {  	[dreg:$0x5] =	wrdreg $0x9  }
0xb4: {  	_ =	task.clear_ibuf [dreg:s9], $0x6FFFF;
	_ =	strace $0x90000046  }
0xb5: {  	s29 =	simm.s32 $0x9;
	_ =	strace $0x80000048  }
0xb6: {  	_ =	swait.ge [sflag:s29], $0x1  }
0xb7: {  	[sflag:s29] =	ssyncadd.s32 $0xFFFFFFFF  }
0xb8: {  	_ =	strace $0x90000048  }
0xb9: {  	_ =	sfence  }
0xba: {  	s30 =	sld [smem:$0x0];
	_ =	sdelay $0x2  }
0xbb: {  	s31 =	sshll.u32 s1, $0xD;
	s1 =	sshrl.u32 s1, $0x2  }
0xbc: {  	s3 =	sand.u32 $0x4000, s31;
	s1 =	sadd.s32 s1, s30  }
0xbd: {  	s0 =	sor.u32 s3, s0;
	s1 =	sshll.u32 s1, $0x11  }
0xbe: {  	s0 =	sor.u32 s1, s0  }
0xbf: {  	s0 =	sadd.s32 $0x8F2B, s0  }
0xc0: {  	[sflag:s0] =	ssyncadd.remote.s32 $0x1  }
0xc1: {  	_ =	sfence.sel $0xFFFF  }
0xc2: {  	[dreg:$0x0] =	wrdreg $0xFFFFFFFF;
	(pc) =	sbr.abs _section_cstart, $3  }
0xc3: {  	[dreg:$0x1] =	wrdreg $0xFFFFFFFF  }
0xc4: {  	_ =	task.clear_ibuf [dreg:s9], $0x2FFFF;
	_ =	strace $0x9FFFFFFF  }
0xc5: {  	(tm) =	ssettm $0x7FFFFFFF  }
tec
execute0_lowered:
.L_overlay_start_1:
0x0: {  	(tag) =	ssettag $0x1  }
0x1: {  	s0 =	rddreg [dreg:$0x1]  }
0x2: {  	s31 =	srdreg.scid;
	s2 =	stileid.u32  }
0x3: {  	[dreg:$0x4] =	wrdreg s0;
	s0 =	sand.u32 $0x1, s31;
	s2 =	sshll.u32 s2, $0x1  }
0x4: {  	s10 =	sor.u32 s0, s2  }
0x5: {  	p0 =	sgt.u32 s10, $0x18  }
.Ltmp0:
0x6: {  	_ = 	snop;
	(pc) =	sbr.rel @p0 .LBB2_3-.Ltmp0, $4  }
0x7: {  	_ = 	snop  }
0x8: {  	s3 =	simm.s32 $0x0  }
0x9: {  	[smem:$0x7FF] =	sst s3  }
0xa: {  	s9 =	rddreg [dreg:$0x2];
	_ =	strace $0x80000047  }
0xb: {  	s2 =	simm.s32 $0x880  }
0xc: {  	s15 =	simm.s32 $0x1080;
	[dreg:$0x5] =	wrdreg s2  }
0xd: {  	s16 =	simm.s32 $0x1880;
	[dreg:$0x6] =	wrdreg s15  }
0xe: {  	s17 =	simm.s32 $0x2080;
	[dreg:$0x7] =	wrdreg s16  }
0xf: {  	s18 =	simm.s32 $0x680;
	[dreg:$0x8] =	wrdreg s17  }
0x10: {  	s19 =	simm.s32 $0xA80;
	[dreg:$0x9] =	wrdreg s18  }
0x11: {  	s20 =	simm.s32 $0xE80;
	[dreg:$0xa] =	wrdreg s19  }
0x12: {  	s21 =	simm.s32 $0x1280;
	[dreg:$0xb] =	wrdreg s20  }
0x13: {  	s22 =	simm.s32 $0x1680;
	[dreg:$0xc] =	wrdreg s21  }
0x14: {  	s23 =	simm.s32 $0x1A80;
	[dreg:$0xd] =	wrdreg s22  }
0x15: {  	s24 =	simm.s32 $0x1E80;
	[dreg:$0xe] =	wrdreg s23  }
0x16: {  	s25 =	simm.s32 $0x2280;
	[dreg:$0xf] =	wrdreg s24  }
0x17: {  	s26 =	simm.s32 $0x2880;
	[dreg:$0x10] =	wrdreg s25  }
0x18: {  	s1 =	simm.s32 $0x3080;
	[dreg:$0x11] =	wrdreg s26  }
0x19: {  	s7 =	simm.s32 $0x3880;
	[dreg:$0x12] =	wrdreg s1  }
0x1a: {  	s4 =	simm.s32 $0x4080;
	[dreg:$0x13] =	wrdreg s7  }
0x1b: {  	s8 =	simm.s32 $0x2680;
	[dreg:$0x14] =	wrdreg s4  }
0x1c: {  	s11 =	simm.s32 $0x2A80;
	[dreg:$0x15] =	wrdreg s8  }
0x1d: {  	s12 =	simm.s32 $0x2E80;
	[dreg:$0x16] =	wrdreg s11  }
0x1e: {  	p0 =	seq.s32 s10, $0x0;
	s13 =	simm.s32 $0x3280;
	[dreg:$0x17] =	wrdreg s12  }
0x1f: {  	p1 =	seq.s32 s0, $0x1;
	s5 =	simm.s32 $0x1;
	[dreg:$0x18] =	wrdreg s13  }
0x20: {  	s6 =	stileid.u32;
	s14 =	simm.s32 $0x3680;
	s1 =	rddreg [dreg:$0x0]  }
0x21: {  	s28 =	simm.s32 $0x1C80;
	[dreg:$0x19] =	wrdreg s14;
	s8 =	simm.s32 $0x3A80  }
0x22: {  	s29 =	simm.s32 $0x2480;
	s11 =	simm.s32 $0x3E80;
	[dreg:$0x1a] =	wrdreg s8  }
0x23: {  	s30 =	simm.s32 $0x2C80;
	s15 =	simm.s32 $0x4280;
	[dreg:$0x1b] =	wrdreg s11  }
0x24: {  	s31 =	simm.s32 $0x3480;
	s17 =	simm.s32 $0x4880;
	[dreg:$0x1c] =	wrdreg s15  }
0x25: {  	p0 =	por !p0, !p1;
	s18 =	simm.s32 $0x5080;
	[dreg:$0x1d] =	wrdreg s17  }
0x26: {  	s2 =	sshll.u32 s0, $0x3;
	s12 =	simm.s32 $0x5880;
	[dreg:$0x1e] =	wrdreg s18  }
0x27: {  	s16 =	sshll.u32 s10, $0xC;
	s13 =	simm.s32 $0x6080;
	[dreg:$0x1f] =	wrdreg s12  }
0x28: {  	s14 =	simm.s32 $0x4680;
	s20 =	simm.s32 $0x5680;
	[smem:$0x7E9] =	sst s13  }
0x29: {  	s21 =	ssub.s32 $0x2, s0;
	s22 =	simm.s32 $0x5A80;
	[smem:$0x7EA] =	sst s14  }
0x2a: {  	s23 =	simm.s32 $0x5E80;
	s24 =	simm.s32 $0x6280;
	[smem:$0x7EE] =	sst s20  }
0x2b: {  	s25 =	simm.s32 $0x6880;
	s26 =	simm.s32 $0x7080;
	[smem:$0x7EF] =	sst s22  }
0x2c: {  	s4 =	simm.s32 $0x8080;
	p0 =	por !p0, !p0;
	[smem:$0x7F0] =	sst s23  }
0x2d: {  	s19 =	sor.u32 $0x4, s2;
	s7 =	sadd.s32 $0x200, s1;
	[smem:$0x7F1] =	sst s24  }
0x2e: {  	s8 =	sadd.s32 $0x300, s1;
	s9 =	sadd.s32 s9, s16;
	[smem:$0x7F2] =	sst s25  }
0x2f: {  	s15 =	simm.s32 $0x4A80;
	s16 =	simm.s32 $0x4E80;
	[smem:$0x7F3] =	sst s26  }
0x30: {  	s17 =	simm.s32 $0x5280;
	s18 =	sshrl.u32 s21, $0x1;
	[smem:$0x7F5] =	sst s4  }
0x31: {  	s20 =	simm.s32 $0x6A80;
	s22 =	simm.s32 $0x7280;
	[smem:$0x7EB] =	sst s15  }
0x32: {  	s23 =	simm.s32 $0x7680;
	s24 =	simm.s32 $0x7A80;
	[smem:$0x7EC] =	sst s16  }
0x33: {  	s25 =	simm.s32 $0x7E80;
	s26 =	simm.s32 $0x8280;
	[smem:$0x7ED] =	sst s17  }
0x34: {  	s4 =	simm.s32 $0x4480;
	s5 =	simm.s32 @!p0 $0x0;
	[smem:$0x7F7] =	sst s20  }
0x35: {  	v5 =	vlaneseq.u32;
	vm0 =	vcmask $0x1F1C;
	s10 =	sadd.s32 $0x200, s9;
	s11 =	sadd.s32 $0x400, s9;
	[smem:$0x7F9] =	sst s22  }
0x36: {  	vm1 =	vcmask $0xF0C;
	vm2 =	vcmask $0x1F18;
	vm3 =	vcmask $0xF08;
	s12 =	sadd.s32 $0x600, s9;
	s13 =	sadd.s32 $0x800, s9;
	[smem:$0x7FA] =	sst s23  }
0x37: {  	vm4 =	vcmask $0x300;
	v1 =	vshrl.u32 v5, $0x2;
	vm0 =	vmor vm1, vm0;
	s14 =	sadd.s32 $0xA00, s9;
	s15 =	sadd.s32 $0xC00, s9;
	[smem:$0x7FB] =	sst s24  }
0x38: {  	vm1 =	vcmask $0x2F2C;
	v2 =	vand.u32 $0x3, v5;
	v3 =	vand.u32 $0x7, v5;
	s16 =	sadd.s32 $0xE00, s9;
	s0 =	ssub.s32 s21, s18;
	[smem:$0x7FC] =	sst s25  }
0x39: {  	v4 =	vshrl.u32 v5, $0x3;
	v5 =	vor.u32 $0x8, v5;
	v0 =	vor.u32 s2, v1;
	s18 =	simm.s32 $0x6680;
	s21 =	simm.s32 $0x6E80;
	[smem:$0x7FD] =	sst s26  }
0x3a: {  	vm0 =	vmor vm0, vm1;
	vm1 =	vcmask $0x3F3C;
	v1 =	vor.u32 s19, v1;
	s22 =	simm.s32 $0x3;
	s26 =	simm.s32 $0x1480;
	s19 =	simm.s32 $0x5480  }
0x3b: {  	v2 =	vmul.u32 $0x2000, v2;
	v4 =	vmul.u32 $0x8, v4;
	vm0 =	vmor vm0, vm1;
	s20 =	simm.s32 $0x5C80;
	s5 =	ssub.s32 s6, s5;
	s17 =	smax.u32 s0, $0x1  }
0x3c: {  	vm1 =	vmor vm3, vm2;
	vm2 =	vcmask $0x2F28;
	vm3 =	vcmask $0x1310;
	[smem:$0x7F6] =	sst s18;
	s6 =	sshll.u32 s5, $0x4;
	s5 =	sshll.u32 s5, $0x6  }
0x3d: {  	[smem:$0x7F8] =	sst s21;
	vm1 =	vmor vm1, vm2;
	vm2 =	vmor vm4, vm3;
	vm3 =	vcmask $0x2320;
	s6 =	sand.u32 $0x70, s6;
	s5 =	sand.u32 $0xFFFFFE00, s5  }
0x3e: {  	vm4 =	vcmask $0x3F38;
	vm2 =	vmor vm2, vm3;
	vm3 =	vcmask $0x3330;
	s5 =	sor.u32 s6, s5;
	s6 =	sadd.s32 $0x100, s1;
	s1 =	simm.s32 $0x7880  }
0x3f: {  	s18 =	simm.s32 $0x6480;
	s21 =	simm.s32 $0x7480;
	vm1 =	vmor vm1, vm4;
	vm2 =	vmor vm2, vm3;
	vm3 =	vmmov $0xffff;
	[smem:$0x7F4] =	sst s1  }
.LBB2_2:
0x40: {  	s23 =	rddreg [dreg:$0x4];
	s0 =	simm.s32 $0x4  }
0x41: {  	[tilespmem:s3], [sflag:$0x4] =	stream.linear.gather [hbm4b:s23+s3], $0x400, $0x38;
	[tilespmem:$0x8480] =	vst v63  }
0x42: {  	_ =	swait.ge [sflag:s0], $0x400  }
0x43: {  	[sflag:s0] =	ssyncset.done $0x0  }
0x44: {  	[sflag:s0] =	ssyncadd.s32 $0xFFFFFC00  }
0x45: {  	v6 =	vld [tilespmem:s5+$0x100]  }
0x46: {  	v7 =	vld [tilespmem:s5+$0x180]  }
0x47: {  	v8 =	vld [tilespmem:s5+$0x80]  }
0x48: {  	v9 =	vld [tilespmem:s5+$0x0];
	_ =	sdelay $0x2  }
0x49: {  	v10 =	vperm.xlane v6, v0;
	v11 =	vperm.xlane v7, v0  }
0x4a: {  	v12 =	vperm.xlane v8, v0  }
0x4b: {  	v13 =	vperm.xlane v9, v0;
	v10 =	vsel vm0, v11, v10  }
0x4c: {  	v10 =	vsel vm1, v10, v12  }
0x4d: {  	v10 =	vsel vm2, v13, v10  }
0x4e: {  	v62 =	vadd.s32 v2, v10  }
0x4f: {  	v63 =	vshll.u32 v62, $0x3  }
0x50: {  	v10 =	vand.u32 $0x7, v10;
	v12 =	vand.u32 $0xFFFFFFC0, v63  }
0x51: {  	v6 =	vperm.xlane v6, v1;
	v10 =	vor.u32 v10, v12  }
0x52: {  	v7 =	vperm.xlane v7, v1;
	v12 =	vperm.xlane v10, v3  }
0x53: {  	v8 =	vperm.xlane v8, v1  }
0x54: {  	v9 =	vperm.xlane v9, v1;
	v6 =	vsel vm0, v7, v6;
	v7 =	vadd.s32 v4, v12  }
0x55: {  	v6 =	vsel vm1, v6, v8  }
0x56: {  	v6 =	vsel vm2, v9, v6  }
0x57: {  	v6 =	vadd.s32 v2, v6;
	[tilespmem:$0x400] =	vst v62  }
0x58: {  	s24 =	simm.s32 $0x480;
	s1 =	rddreg [dreg:$0x0];
	[tilespmem:$0x410] =	vst v6  }
0x59: {  	[tilespmem:s24], [sflag:$0x1] =	stream.indirect_vreg.gather [hbm4b:s1+s3], $0x80, v7, vm3, $0xb8;
	[tilespmem:$0x8480] =	vst v63  }
0x5a: {  	s25 =	simm.s32 $0xC80;
	v6 =	vperm.xlane v10, v5  }
0x5b: {  	[tilespmem:s25], [sflag:$0x1] =	stream.indirect_vreg.gather [hbm4b:s6+s3], $0x80, v7, vm3, $0xb8;
	[tilespmem:$0x8480] =	vst v63  }
0x5c: {  	v6 =	vadd.s32 v4, v6  }
0x5d: {  	[tilespmem:s26], [sflag:$0x1] =	stream.indirect_vreg.gather [hbm4b:s7+s3], $0x80, v7, vm3, $0xb8;
	[tilespmem:$0x8480] =	vst v63  }
0x5e: {  	_ = 	snop  }
0x5f: {  	[tilespmem:s28], [sflag:$0x1] =	stream.indirect_vreg.gather [hbm4b:s8+s3], $0x80, v7, vm3, $0xb8;
	[tilespmem:$0x8480] =	vst v63  }
0x60: {  	_ = 	snop  }
0x61: {  	[tilespmem:s29], [sflag:$0x1] =	stream.indirect_vreg.gather [hbm4b:s1+s3], $0x80, v6, vm3, $0xb8;
	[tilespmem:$0x8480] =	vst v63  }
0x62: {  	_ = 	snop  }
0x63: {  	[tilespmem:s30], [sflag:$0x1] =	stream.indirect_vreg.gather [hbm4b:s6+s3], $0x80, v6, vm3, $0xb8;
	[tilespmem:$0x8480] =	vst v63  }
0x64: {  	_ = 	snop  }
0x65: {  	[tilespmem:s31], [sflag:$0x1] =	stream.indirect_vreg.gather [hbm4b:s7+s3], $0x80, v6, vm3, $0xb8;
	[tilespmem:$0x8480] =	vst v63  }
0x66: {  	s2 =	simm.s32 $0x3C80  }
0x67: {  	[tilespmem:s2], [sflag:$0x1] =	stream.indirect_vreg.gather [hbm4b:s8+s3], $0x80, v6, vm3, $0xb8;
	[tilespmem:$0x8480] =	vst v63  }
0x68: {  	v6 =	vld [tilespmem:$0x410];
	_ =	sdelay $0x4  }
0x69: {  	v7 =	vshll.u32 v6, $0x3  }
0x6a: {  	v6 =	vand.u32 $0x7, v6;
	v7 =	vand.u32 $0xFFFFFFC0, v7  }
0x6b: {  	v6 =	vor.u32 v6, v7  }
0x6c: {  	v7 =	vperm.xlane v6, v3;
	_ =	sdelay $0x1  }
0x6d: {  	v7 =	vadd.s32 v4, v7;
	_ =	sdelay $0x4  }
0x6e: {  	[tilespmem:s4], [sflag:$0x2] =	stream.indirect_vreg.gather [hbm4b:s1+s3], $0x80, v7, vm3, $0xb8;
	[tilespmem:$0x8480] =	vst v63  }
0x6f: {  	s0 =	simm.s32 $0x4C80;
	v6 =	vperm.xlane v6, v5  }
0x70: {  	[tilespmem:s0], [sflag:$0x2] =	stream.indirect_vreg.gather [hbm4b:s6+s3], $0x80, v7, vm3, $0xb8;
	[tilespmem:$0x8480] =	vst v63  }
0x71: {  	v6 =	vadd.s32 v4, v6  }
0x72: {  	[tilespmem:s19], [sflag:$0x2] =	stream.indirect_vreg.gather [hbm4b:s7+s3], $0x80, v7, vm3, $0xb8;
	[tilespmem:$0x8480] =	vst v63  }
0x73: {  	_ = 	snop  }
0x74: {  	[tilespmem:s20], [sflag:$0x2] =	stream.indirect_vreg.gather [hbm4b:s8+s3], $0x80, v7, vm3, $0xb8;
	[tilespmem:$0x8480] =	vst v63  }
0x75: {  	_ = 	snop  }
0x76: {  	[tilespmem:s18], [sflag:$0x2] =	stream.indirect_vreg.gather [hbm4b:s1+s3], $0x80, v6, vm3, $0xb8;
	[tilespmem:$0x8480] =	vst v63  }
0x77: {  	s1 =	simm.s32 $0x6C80  }
0x78: {  	[tilespmem:s1], [sflag:$0x2] =	stream.indirect_vreg.gather [hbm4b:s6+s3], $0x80, v6, vm3, $0xb8;
	[tilespmem:$0x8480] =	vst v63  }
0x79: {  	_ = 	snop  }
0x7a: {  	[tilespmem:s21], [sflag:$0x2] =	stream.indirect_vreg.gather [hbm4b:s7+s3], $0x80, v6, vm3, $0xb8;
	[tilespmem:$0x8480] =	vst v63  }
0x7b: {  	s23 =	simm.s32 $0x7C80  }
0x7c: {  	[tilespmem:s23], [sflag:$0x2] =	stream.indirect_vreg.gather [hbm4b:s8+s3], $0x80, v6, vm3, $0xb8;
	[tilespmem:$0x8480] =	vst v63  }
0x7d: {  	s23 =	simm.s32 $0x1  }
0x7e: {  	_ =	swait.ge [sflag:s23], $0x4000  }
0x7f: {  	[sflag:s23] =	ssyncset.done $0x0  }
0x80: {  	[sflag:s23] =	ssyncadd.s32 $0xFFFFC000  }
0x81: {  	[hbm4b:s9+s3] =	stream.linear.scatter [tilespmem:s24], [sflag:$0x3], $0x200, $0x38;
	[tilespmem:$0x8480] =	vst v63  }
0x82: {  	s23 =	rddreg [dreg:$0x5];
	s24 =	sadd.s32 $0x40, s9  }
0x83: {  	[hbm4b:s24+s3] =	stream.linear.scatter [tilespmem:s23], [sflag:$0x3], $0x200, $0x38;
	[tilespmem:$0x8480] =	vst v63  }
0x84: {  	s23 =	sadd.s32 $0x80, s9  }
0x85: {  	[hbm4b:s23+s3] =	stream.linear.scatter [tilespmem:s25], [sflag:$0x3], $0x200, $0x38;
	[tilespmem:$0x8480] =	vst v63  }
0x86: {  	s24 =	rddreg [dreg:$0x6];
	s25 =	sadd.s32 $0xC0, s9  }
0x87: {  	[hbm4b:s25+s3] =	stream.linear.scatter [tilespmem:s24], [sflag:$0x3], $0x200, $0x38;
	[tilespmem:$0x8480] =	vst v63  }
0x88: {  	s25 =	sadd.s32 $0x100, s9  }
0x89: {  	[hbm4b:s25+s3] =	stream.linear.scatter [tilespmem:s26], [sflag:$0x3], $0x200, $0x38;
	[tilespmem:$0x8480] =	vst v63  }
0x8a: {  	s24 =	rddreg [dreg:$0x7];
	s25 =	sadd.s32 $0x140, s9  }
0x8b: {  	[hbm4b:s25+s3] =	stream.linear.scatter [tilespmem:s24], [sflag:$0x3], $0x200, $0x38;
	[tilespmem:$0x8480] =	vst v63  }
0x8c: {  	s25 =	sadd.s32 $0x180, s9  }
0x8d: {  	[hbm4b:s25+s3] =	stream.linear.scatter [tilespmem:s28], [sflag:$0x3], $0x200, $0x38;
	[tilespmem:$0x8480] =	vst v63  }
0x8e: {  	s23 =	sadd.s32 $0x1C0, s9;
	s24 =	rddreg [dreg:$0x8]  }
0x8f: {  	[hbm4b:s23+s3] =	stream.linear.scatter [tilespmem:s24], [sflag:$0x3], $0x200, $0x38;
	[tilespmem:$0x8480] =	vst v63  }
0x90: {  	s25 =	rddreg [dreg:$0x9]  }
0x91: {  	[hbm4b:s10+s3] =	stream.linear.scatter [tilespmem:s25], [sflag:$0x3], $0x200, $0x38;
	[tilespmem:$0x8480] =	vst v63  }
0x92: {  	s23 =	rddreg [dreg:$0xa];
	s24 =	sadd.s32 $0x40, s10  }
0x93: {  	[hbm4b:s24+s3] =	stream.linear.scatter [tilespmem:s23], [sflag:$0x3], $0x200, $0x38;
	[tilespmem:$0x8480] =	vst v63  }
0x94: {  	s25 =	rddreg [dreg:$0xb];
	s23 =	sadd.s32 $0x80, s10  }
0x95: {  	[hbm4b:s23+s3] =	stream.linear.scatter [tilespmem:s25], [sflag:$0x3], $0x200, $0x38;
	[tilespmem:$0x8480] =	vst v63  }
0x96: {  	s24 =	rddreg [dreg:$0xc];
	s23 =	sadd.s32 $0xC0, s10  }
0x97: {  	[hbm4b:s23+s3] =	stream.linear.scatter [tilespmem:s24], [sflag:$0x3], $0x200, $0x38;
	[tilespmem:$0x8480] =	vst v63  }
0x98: {  	s25 =	rddreg [dreg:$0xd];
	s23 =	sadd.s32 $0x100, s10  }
0x99: {  	[hbm4b:s23+s3] =	stream.linear.scatter [tilespmem:s25], [sflag:$0x3], $0x200, $0x38;
	[tilespmem:$0x8480] =	vst v63  }
0x9a: {  	s24 =	rddreg [dreg:$0xe];
	s23 =	sadd.s32 $0x140, s10  }
0x9b: {  	[hbm4b:s23+s3] =	stream.linear.scatter [tilespmem:s24], [sflag:$0x3], $0x200, $0x38;
	[tilespmem:$0x8480] =	vst v63  }
0x9c: {  	s25 =	rddreg [dreg:$0xf];
	s23 =	sadd.s32 $0x180, s10  }
0x9d: {  	[hbm4b:s23+s3] =	stream.linear.scatter [tilespmem:s25], [sflag:$0x3], $0x200, $0x38;
	[tilespmem:$0x8480] =	vst v63  }
0x9e: {  	s24 =	rddreg [dreg:$0x10];
	s25 =	sadd.s32 $0x1C0, s10  }
0x9f: {  	[hbm4b:s25+s3] =	stream.linear.scatter [tilespmem:s24], [sflag:$0x3], $0x200, $0x38;
	[tilespmem:$0x8480] =	vst v63  }
0xa0: {  	_ = 	snop  }
0xa1: {  	[hbm4b:s11+s3] =	stream.linear.scatter [tilespmem:s29], [sflag:$0x3], $0x200, $0x38;
	[tilespmem:$0x8480] =	vst v63  }
0xa2: {  	s24 =	rddreg [dreg:$0x11];
	s25 =	sadd.s32 $0x40, s11  }
0xa3: {  	[hbm4b:s25+s3] =	stream.linear.scatter [tilespmem:s24], [sflag:$0x3], $0x200, $0x38;
	[tilespmem:$0x8480] =	vst v63  }
0xa4: {  	s25 =	sadd.s32 $0x80, s11  }
0xa5: {  	[hbm4b:s25+s3] =	stream.linear.scatter [tilespmem:s30], [sflag:$0x3], $0x200, $0x38;
	[tilespmem:$0x8480] =	vst v63  }
0xa6: {  	s24 =	rddreg [dreg:$0x12];
	s25 =	sadd.s32 $0xC0, s11  }
0xa7: {  	[hbm4b:s25+s3] =	stream.linear.scatter [tilespmem:s24], [sflag:$0x3], $0x200, $0x38;
	[tilespmem:$0x8480] =	vst v63  }
0xa8: {  	s25 =	sadd.s32 $0x100, s11  }
0xa9: {  	[hbm4b:s25+s3] =	stream.linear.scatter [tilespmem:s31], [sflag:$0x3], $0x200, $0x38;
	[tilespmem:$0x8480] =	vst v63  }
0xaa: {  	s24 =	rddreg [dreg:$0x13];
	s25 =	sadd.s32 $0x140, s11  }
0xab: {  	[hbm4b:s25+s3] =	stream.linear.scatter [tilespmem:s24], [sflag:$0x3], $0x200, $0x38;
	[tilespmem:$0x8480] =	vst v63  }
0xac: {  	s25 =	sadd.s32 $0x180, s11  }
0xad: {  	[hbm4b:s25+s3] =	stream.linear.scatter [tilespmem:s2], [sflag:$0x3], $0x200, $0x38;
	[tilespmem:$0x8480] =	vst v63  }
0xae: {  	s24 =	rddreg [dreg:$0x14];
	s25 =	sadd.s32 $0x1C0, s11  }
0xaf: {  	[hbm4b:s25+s3] =	stream.linear.scatter [tilespmem:s24], [sflag:$0x3], $0x200, $0x38;
	[tilespmem:$0x8480] =	vst v63  }
0xb0: {  	s2 =	rddreg [dreg:$0x15]  }
0xb1: {  	[hbm4b:s12+s3] =	stream.linear.scatter [tilespmem:s2], [sflag:$0x3], $0x200, $0x38;
	[tilespmem:$0x8480] =	vst v63  }
0xb2: {  	s24 =	rddreg [dreg:$0x16];
	s2 =	sadd.s32 $0x40, s12  }
0xb3: {  	[hbm4b:s2+s3] =	stream.linear.scatter [tilespmem:s24], [sflag:$0x3], $0x200, $0x38;
	[tilespmem:$0x8480] =	vst v63  }
0xb4: {  	s25 =	rddreg [dreg:$0x17];
	s2 =	sadd.s32 $0x80, s12  }
0xb5: {  	[hbm4b:s2+s3] =	stream.linear.scatter [tilespmem:s25], [sflag:$0x3], $0x200, $0x38;
	[tilespmem:$0x8480] =	vst v63  }
0xb6: {  	s24 =	rddreg [dreg:$0x18];
	s2 =	sadd.s32 $0xC0, s12  }
0xb7: {  	[hbm4b:s2+s3] =	stream.linear.scatter [tilespmem:s24], [sflag:$0x3], $0x200, $0x38;
	[tilespmem:$0x8480] =	vst v63  }
0xb8: {  	s25 =	rddreg [dreg:$0x19];
	s2 =	sadd.s32 $0x100, s12  }
0xb9: {  	[hbm4b:s2+s3] =	stream.linear.scatter [tilespmem:s25], [sflag:$0x3], $0x200, $0x38;
	[tilespmem:$0x8480] =	vst v63  }
0xba: {  	s24 =	rddreg [dreg:$0x1a];
	s2 =	sadd.s32 $0x140, s12  }
0xbb: {  	[hbm4b:s2+s3] =	stream.linear.scatter [tilespmem:s24], [sflag:$0x3], $0x200, $0x38;
	[tilespmem:$0x8480] =	vst v63  }
0xbc: {  	s25 =	rddreg [dreg:$0x1b];
	s2 =	sadd.s32 $0x180, s12  }
0xbd: {  	[hbm4b:s2+s3] =	stream.linear.scatter [tilespmem:s25], [sflag:$0x3], $0x200, $0x38;
	[tilespmem:$0x8480] =	vst v63  }
0xbe: {  	s24 =	rddreg [dreg:$0x1c];
	s2 =	sadd.s32 $0x1C0, s12  }
0xbf: {  	[hbm4b:s2+s3] =	stream.linear.scatter [tilespmem:s24], [sflag:$0x3], $0x200, $0x38;
	[tilespmem:$0x8480] =	vst v63  }
0xc0: {  	s24 =	simm.s32 $0x2  }
0xc1: {  	_ =	swait.ge [sflag:s24], $0x4000  }
0xc2: {  	[sflag:s24] =	ssyncset.done $0x0  }
0xc3: {  	[sflag:s24] =	ssyncadd.s32 $0xFFFFC000  }
0xc4: {  	[hbm4b:s13+s3] =	stream.linear.scatter [tilespmem:s4], [sflag:$0x3], $0x200, $0x38;
	[tilespmem:$0x8480] =	vst v63  }
0xc5: {  	s2 =	sadd.s32 $0x40, s13;
	s25 =	rddreg [dreg:$0x1d]  }
0xc6: {  	[hbm4b:s2+s3] =	stream.linear.scatter [tilespmem:s25], [sflag:$0x3], $0x200, $0x38;
	[tilespmem:$0x8480] =	vst v63  }
0xc7: {  	s24 =	sadd.s32 $0x80, s13  }
0xc8: {  	[hbm4b:s24+s3] =	stream.linear.scatter [tilespmem:s0], [sflag:$0x3], $0x200, $0x38;
	[tilespmem:$0x8480] =	vst v63  }
0xc9: {  	s25 =	rddreg [dreg:$0x1e];
	s2 =	sadd.s32 $0xC0, s13  }
0xca: {  	[hbm4b:s2+s3] =	stream.linear.scatter [tilespmem:s25], [sflag:$0x3], $0x200, $0x38;
	[tilespmem:$0x8480] =	vst v63  }
0xcb: {  	s25 =	sadd.s32 $0x100, s13  }
0xcc: {  	[hbm4b:s25+s3] =	stream.linear.scatter [tilespmem:s19], [sflag:$0x3], $0x200, $0x38;
	[tilespmem:$0x8480] =	vst v63  }
0xcd: {  	s0 =	rddreg [dreg:$0x1f];
	s2 =	sadd.s32 $0x140, s13  }
0xce: {  	[hbm4b:s2+s3] =	stream.linear.scatter [tilespmem:s0], [sflag:$0x3], $0x200, $0x38;
	[tilespmem:$0x8480] =	vst v63  }
0xcf: {  	s24 =	sadd.s32 $0x180, s13;
	s25 =	sld [smem:$0x7E9]  }
0xd0: {  	[hbm4b:s24+s3] =	stream.linear.scatter [tilespmem:s20], [sflag:$0x3], $0x200, $0x38;
	[tilespmem:$0x8480] =	vst v63  }
0xd1: {  	s0 =	sadd.s32 $0x1C0, s13;
	s2 =	sld [smem:$0x7EA]  }
0xd2: {  	[hbm4b:s0+s3] =	stream.linear.scatter [tilespmem:s25], [sflag:$0x3], $0x200, $0x38;
	[tilespmem:$0x8480] =	vst v63  }
0xd3: {  	s24 =	sld [smem:$0x7EB]  }
0xd4: {  	[hbm4b:s14+s3] =	stream.linear.scatter [tilespmem:s2], [sflag:$0x3], $0x200, $0x38;
	[tilespmem:$0x8480] =	vst v63  }
0xd5: {  	s25 =	sadd.s32 $0x40, s14;
	s0 =	sld [smem:$0x7EC]  }
0xd6: {  	[hbm4b:s25+s3] =	stream.linear.scatter [tilespmem:s24], [sflag:$0x3], $0x200, $0x38;
	[tilespmem:$0x8480] =	vst v63  }
0xd7: {  	s2 =	sadd.s32 $0x80, s14;
	s24 =	sld [smem:$0x7ED]  }
0xd8: {  	[hbm4b:s2+s3] =	stream.linear.scatter [tilespmem:s0], [sflag:$0x3], $0x200, $0x38;
	[tilespmem:$0x8480] =	vst v63  }
0xd9: {  	s0 =	sadd.s32 $0xC0, s14;
	s2 =	sld [smem:$0x7EE]  }
0xda: {  	[hbm4b:s0+s3] =	stream.linear.scatter [tilespmem:s24], [sflag:$0x3], $0x200, $0x38;
	[tilespmem:$0x8480] =	vst v63  }
0xdb: {  	s24 =	sadd.s32 $0x100, s14;
	s0 =	sld [smem:$0x7EF]  }
0xdc: {  	[hbm4b:s24+s3] =	stream.linear.scatter [tilespmem:s2], [sflag:$0x3], $0x200, $0x38;
	[tilespmem:$0x8480] =	vst v63  }
0xdd: {  	s25 =	sld [smem:$0x7F0];
	s2 =	sadd.s32 $0x140, s14  }
0xde: {  	[hbm4b:s2+s3] =	stream.linear.scatter [tilespmem:s0], [sflag:$0x3], $0x200, $0x38;
	[tilespmem:$0x8480] =	vst v63  }
0xdf: {  	s0 =	sadd.s32 $0x180, s14;
	s2 =	sld [smem:$0x7F1]  }
0xe0: {  	[hbm4b:s0+s3] =	stream.linear.scatter [tilespmem:s25], [sflag:$0x3], $0x200, $0x38;
	[tilespmem:$0x8480] =	vst v63  }
0xe1: {  	s25 =	sadd.s32 $0x1C0, s14  }
0xe2: {  	[hbm4b:s25+s3] =	stream.linear.scatter [tilespmem:s2], [sflag:$0x3], $0x200, $0x38;
	[tilespmem:$0x8480] =	vst v63  }
0xe3: {  	s0 =	sld [smem:$0x7F2]  }
0xe4: {  	[hbm4b:s15+s3] =	stream.linear.scatter [tilespmem:s18], [sflag:$0x3], $0x200, $0x38;
	[tilespmem:$0x8480] =	vst v63  }
0xe5: {  	s2 =	sadd.s32 $0x40, s15  }
0xe6: {  	[hbm4b:s2+s3] =	stream.linear.scatter [tilespmem:s0], [sflag:$0x3], $0x200, $0x38;
	[tilespmem:$0x8480] =	vst v63  }
0xe7: {  	s25 =	sadd.s32 $0x80, s15;
	s0 =	sld [smem:$0x7F3]  }
0xe8: {  	[hbm4b:s25+s3] =	stream.linear.scatter [tilespmem:s1], [sflag:$0x3], $0x200, $0x38;
	[tilespmem:$0x8480] =	vst v63  }
0xe9: {  	s2 =	sadd.s32 $0xC0, s15  }
0xea: {  	[hbm4b:s2+s3] =	stream.linear.scatter [tilespmem:s0], [sflag:$0x3], $0x200, $0x38;
	[tilespmem:$0x8480] =	vst v63  }
0xeb: {  	s25 =	sadd.s32 $0x100, s15;
	s0 =	sld [smem:$0x7F4]  }
0xec: {  	[hbm4b:s25+s3] =	stream.linear.scatter [tilespmem:s21], [sflag:$0x3], $0x200, $0x38;
	[tilespmem:$0x8480] =	vst v63  }
0xed: {  	s1 =	sadd.s32 $0x140, s15  }
0xee: {  	[hbm4b:s1+s3] =	stream.linear.scatter [tilespmem:s0], [sflag:$0x3], $0x200, $0x38;
	[tilespmem:$0x8480] =	vst v63  }
0xef: {  	s24 =	sld [smem:$0x7F5];
	s2 =	sadd.s32 $0x180, s15;
	s25 =	simm.s32 $0x7C80  }
0xf0: {  	[hbm4b:s2+s3] =	stream.linear.scatter [tilespmem:s25], [sflag:$0x3], $0x200, $0x38;
	[tilespmem:$0x8480] =	vst v63  }
0xf1: {  	s1 =	sadd.s32 $0x1C0, s15;
	s2 =	sld [smem:$0x7F6]  }
0xf2: {  	[hbm4b:s1+s3] =	stream.linear.scatter [tilespmem:s24], [sflag:$0x3], $0x200, $0x38;
	[tilespmem:$0x8480] =	vst v63  }
0xf3: {  	s24 =	sld [smem:$0x7F7]  }
0xf4: {  	[hbm4b:s16+s3] =	stream.linear.scatter [tilespmem:s2], [sflag:$0x3], $0x200, $0x38;
	[tilespmem:$0x8480] =	vst v63  }
0xf5: {  	s0 =	sld [smem:$0x7F8];
	s25 =	sadd.s32 $0x40, s16  }
0xf6: {  	[hbm4b:s25+s3] =	stream.linear.scatter [tilespmem:s24], [sflag:$0x3], $0x200, $0x38;
	[tilespmem:$0x8480] =	vst v63  }
0xf7: {  	s1 =	sadd.s32 $0x80, s16;
	s2 =	sld [smem:$0x7F9]  }
0xf8: {  	[hbm4b:s1+s3] =	stream.linear.scatter [tilespmem:s0], [sflag:$0x3], $0x200, $0x38;
	[tilespmem:$0x8480] =	vst v63  }
0xf9: {  	s25 =	sadd.s32 $0xC0, s16;
	s0 =	sld [smem:$0x7FA]  }
0xfa: {  	[hbm4b:s25+s3] =	stream.linear.scatter [tilespmem:s2], [sflag:$0x3], $0x200, $0x38;
	[tilespmem:$0x8480] =	vst v63  }
0xfb: {  	s1 =	sadd.s32 $0x100, s16;
	s2 =	sld [smem:$0x7FB]  }
0xfc: {  	[hbm4b:s1+s3] =	stream.linear.scatter [tilespmem:s0], [sflag:$0x3], $0x200, $0x38;
	[tilespmem:$0x8480] =	vst v63  }
0xfd: {  	s25 =	sadd.s32 $0x140, s16;
	s0 =	sld [smem:$0x7FC]  }
0xfe: {  	[hbm4b:s25+s3] =	stream.linear.scatter [tilespmem:s2], [sflag:$0x3], $0x200, $0x38;
	[tilespmem:$0x8480] =	vst v63  }
0xff: {  	s1 =	sadd.s32 $0x180, s16;
	s2 =	sld [smem:$0x7FD]  }
0x100: {  	[hbm4b:s1+s3] =	stream.linear.scatter [tilespmem:s0], [sflag:$0x3], $0x200, $0x38;
	[tilespmem:$0x8480] =	vst v63  }
0x101: {  	s25 =	sadd.s32 $0x1C0, s16  }
0x102: {  	[hbm4b:s25+s3] =	stream.linear.scatter [tilespmem:s2], [sflag:$0x3], $0x200, $0x38;
	[tilespmem:$0x8480] =	vst v63  }
0x103: {  	_ =	swait.ge [sflag:s22], $0x1000  }
0x104: {  	[sflag:s22] =	ssyncset.done $0x0  }
0x105: {  	[sflag:s22] =	ssyncadd.s32 $0xFFFFF000  }
0x106: {  	_ =	swait.ge [sflag:s22], $0x1000  }
0x107: {  	[sflag:s22] =	ssyncset.done $0x0  }
0x108: {  	[sflag:s22] =	ssyncadd.s32 $0xFFFFF000  }
0x109: {  	_ =	swait.ge [sflag:s22], $0x1000  }
0x10a: {  	[sflag:s22] =	ssyncset.done $0x0  }
0x10b: {  	[sflag:s22] =	ssyncadd.s32 $0xFFFFF000  }
0x10c: {  	_ =	swait.ge [sflag:s22], $0x1000  }
0x10d: {  	[sflag:s22] =	ssyncset.done $0x0  }
0x10e: {  	[sflag:s22] =	ssyncadd.s32 $0xFFFFF000  }
0x10f: {  	_ =	swait.ge [sflag:s22], $0x1000  }
0x110: {  	[sflag:s22] =	ssyncset.done $0x0  }
0x111: {  	[sflag:s22] =	ssyncadd.s32 $0xFFFFF000  }
0x112: {  	_ =	swait.ge [sflag:s22], $0x1000  }
0x113: {  	[sflag:s22] =	ssyncset.done $0x0  }
0x114: {  	[sflag:s22] =	ssyncadd.s32 $0xFFFFF000  }
0x115: {  	p0 =	sne.s32 s17, $0x1;
	_ =	swait.ge [sflag:s22], $0x1000  }
.Ltmp1:
0x116: {  	[sflag:s22] =	ssyncset.done $0x0;
	(pc) =	sbr.rel @p0 .LBB2_2-.Ltmp1, $4  }
0x117: {  	[sflag:s22] =	ssyncadd.s32 $0xFFFFF000  }
0x118: {  	_ =	swait.ge [sflag:s22], $0x1000  }
0x119: {  	[sflag:s22] =	ssyncset.done $0x0  }
0x11a: {  	s17 =	sadd.s32 $0xFFFFFFFF, s17;
	[sflag:s22] =	ssyncadd.s32 $0xFFFFF000  }
.LBB2_3:
0x11b: {  	_ =	sfence.sel $0x180000  }
0x11c: {  	[bflag:$0x0] =	sbarrier.arrive $0xFFFF  }
0x11d: {  	_ =	strace $0x90000047  }
0x11e: {  	s0 =	stileid.u32;
	[bflag:$0x2] =	sbarrier.arrive $0xFFFF  }
0x11f: {  	p0 =	sne.s32 s0, $0x0;
	s0 =	rddreg [dreg:$0x3]  }
0x120: {  	s0 =	sadd.s32 @!p0 $0x100000, s0  }
0x121: {  	[sflag:s0] =	ssyncadd.tile.s32 @!p0 $0x1;
	_ =	shalt  }
.Lfunc_end2:
_tile_overlayer_lowered:
.L_overlay_start_2:
0x122: {  	(tag) =	ssettag $0x2  }
0x123: {  	s0 =	rddreg [dreg:$0x0];
	s2 =	stileid.u32  }
0x124: {  	s1 =	rddreg [dreg:$0x1];
	p0 =	sne.s32 s2, $0x0  }
0x125: {  	s3 =	rddreg [dreg:$0x2];
	[bflag:$0x3] =	sbarrier.arrive $0xFFFF;
	s2 =	simm.s32 @!p0 $0x1C04  }
0x126: {  	[timem:s3], [sflag:s2] =	dma.local @!p0 [hbm:s0], s1  }
0x127: {  	s0 =	simm.s32 @!p0 $0x4  }
0x128: {  	_ =	swait.ge @!p0 [sflag:s0], s1  }
0x129: {  	s1 =	ssub.s32 @!p0 $0x0, s1;
	[sflag:s0] =	ssyncset.done @!p0 $0x0  }
0x12a: {  	[sflag:s0] =	ssyncadd.s32 @!p0 s1  }
0x12b: {  	[bflag:$0x3] =	sbarrier.arrive $0xFFFF  }
0x12c: {  	_ =	shalt  }

</sc_bundles>
